<compile_context>
chip_gen: v7x
topology: tpu7x:2x2x1
jax: 0.10.2.dev20260603
libtpu: 0.0.44.dev20260713+nightly
codegen_flags: <defaults>
</compile_context>

<pallas_src>
import functools

import jax
import jax.numpy as jnp
from jax import lax
from jax.experimental import pallas as pl
from jax.experimental.pallas import tpu as pltpu
from jax.experimental.pallas import tpu_sc as plsc

_NC = 2
_NS = 16
_NW = _NC * _NS
_LANES = 16
_LPAD = 2 * _LANES

_CHUNK = 32


def _sc_kernel(B, L, D):
  nb_per_w = B // _NW
  n_chunks = nb_per_w // _CHUNK
  rows_per_chunk = _CHUNK * L
  n_idx_rows = rows_per_chunk // 128
  nk = D // _LANES

  mesh = plsc.VectorSubcoreMesh(core_axis_name="c", subcore_axis_name="s")

  @functools.partial(
      pl.kernel,
      out_type=jax.ShapeDtypeStruct((B * _LPAD,), jnp.float32),
      mesh=mesh,
      compiler_params=pltpu.CompilerParams(use_tc_tiling_on_sc=False),
      scratch_types=[
          pltpu.VMEM((_CHUNK,), jnp.int32),
          pltpu.VMEM((n_idx_rows, 128), jnp.int32),
          pltpu.VMEM((_CHUNK, D), jnp.float32),
          pltpu.VMEM((rows_per_chunk, D), jnp.float32),
          pltpu.VMEM((_CHUNK * _LPAD,), jnp.float32),
          pltpu.SemaphoreType.DMA,
          pltpu.SemaphoreType.DMA,
      ],
  )
  def k(center_hbm, con_hbm, emb_u_hbm, emb_v_hbm, out_hbm,
        cidx_v, uidx_v, vrows_v, urows_v, res_v, sem_u, sem_v):
    wid = lax.axis_index("s") * _NC + lax.axis_index("c")
    lane = lax.iota(jnp.int32, _LANES)
    perms = [
        (lane ^ (1 << p)).reshape(_LANES, 1) for p in range(4)
    ]
    gdims = lax.GatherDimensionNumbers(
        offset_dims=(), collapsed_slice_dims=(0,), start_index_map=(0,))

    def lane_sum(x):
      for p in perms:
        x = x + lax.gather(x, p, gdims, (1,),
                           mode=lax.GatherScatterMode.PROMISE_IN_BOUNDS)
      return x

    def chunk_body(c, _):
      b_base = wid * nb_per_w + c * _CHUNK
      pltpu.sync_copy(center_hbm.at[pl.ds(b_base, _CHUNK)], cidx_v)
      for j in range(n_idx_rows):
        pltpu.sync_copy(con_hbm.at[pl.ds(b_base * L + j * 128, 128)],
                        uidx_v.at[j])
      cp_v = pltpu.async_copy(emb_v_hbm.at[cidx_v], vrows_v, sem_v)
      cps = [
          pltpu.async_copy(
              emb_u_hbm.at[uidx_v.at[j]],
              urows_v.at[pl.ds(j * 128, 128)], sem_u)
          for j in range(n_idx_rows)
      ]
      cp_v.wait()
      for cp in cps:
        cp.wait()

      def dot_body(b, _):
        vr = [vrows_v[b, pl.ds(k16 * _LANES, _LANES)] for k16 in range(nk)]

        def dot(l):
          row = b * L + l
          acc = urows_v[row, pl.ds(0, _LANES)] * vr[0]
          for k16 in range(1, nk):
            acc += urows_v[row, pl.ds(k16 * _LANES, _LANES)] * vr[k16]
          return lane_sum(acc)

        vec0 = dot(0)
        for l in range(1, _LANES):
          vec0 = jnp.where(lane == l, dot(l), vec0)
        res_v[pl.ds(b * _LPAD, _LANES)] = vec0
        vec1 = dot(_LANES)
        for l in range(_LANES + 1, L):
          vec1 = jnp.where(lane == (l - _LANES), dot(l), vec1)
        res_v[pl.ds(b * _LPAD + _LANES, _LANES)] = vec1
        return ()

      lax.fori_loop(0, _CHUNK, dot_body, ())
      pltpu.sync_copy(res_v,
                      out_hbm.at[pl.ds(b_base * _LPAD, _CHUNK * _LPAD)])
      return ()

    lax.fori_loop(0, n_chunks, chunk_body, ())

  return k


def kernel(center, con_neg, emb_u, emb_v):
  B, L = con_neg.shape
  V, D = emb_u.shape
  assert B % (_NW * _CHUNK) == 0 and (_CHUNK * L) % 128 == 0
  assert D % _LANES == 0 and _LANES < L <= _LPAD
  center_flat = center.reshape(B).astype(jnp.int32)
  con_flat = con_neg.reshape(B * L).astype(jnp.int32)
  out = _sc_kernel(B, L, D)(center_flat, con_flat, emb_u, emb_v)
  return out.reshape(B, _LPAD)[:, :L].reshape(B, 1, L)

# --- scband reference (transcript-rebuilt; emitter-appended) ---
"""Pipeline reference for scband-model-50405736186455 (READ-ONLY COPY).

The authoritative reference and input builder live on the scoring server;
editing this copy changes nothing except your own understanding.
"""

import jax, jax.numpy as jnp
import numpy as np

VOCAB = 1000000
DIM = 64
B = 16384
L = 20


def setup_inputs(seed: int = 0) -> dict:
    key = jax.random.key(seed)
    k1, k2, k3, k4 = jax.random.split(key, 4)
    center = jax.random.randint(k1, (B, 1), 0, VOCAB)
    con_neg = jax.random.randint(k2, (B, L), 0, VOCAB)
    emb_u = jax.random.normal(k3, (VOCAB, DIM), dtype=jnp.float32) * 0.02
    emb_v = jax.random.normal(k4, (VOCAB, DIM), dtype=jnp.float32) * 0.02
    return {"center": center, "con_neg": con_neg, "emb_u": emb_u, "emb_v": emb_v}


def reference(center, con_neg, emb_u, emb_v):
    # v = embedding_v(center): [B, 1, D]
    v = jnp.take(emb_v, center, axis=0)
    # u = embedding_u(con_neg): [B, L, D]
    u = jnp.take(emb_u, con_neg, axis=0)
    # pred = bmm(v, u.transpose(1, 2)): [B, 1, L]
    pred = jnp.einsum('bik,bjk->bij', v, u)
    return pred

if __name__ == "__main__":
    import jax
    _d = setup_inputs()
    print(jax.jit(kernel)(*tuple(_d.values())))

</pallas_src>

<mosaic_0001>
#map = affine_map<(d0, d1) -> (0)>
#map1 = affine_map<(d0, d1) -> (0, 0)>
module attributes {stable_mosaic.version = 14 : i64} {
  func.func @k(%arg0: i32, %arg1: i32, %arg2: memref<16384xi32, #tpu.memory_space<hbm>>, %arg3: memref<327680xi32, #tpu.memory_space<hbm>>, %arg4: memref<1000000x64xf32, #tpu.memory_space<hbm>>, %arg5: memref<1000000x64xf32, #tpu.memory_space<hbm>>, %arg6: memref<524288xf32, #tpu.memory_space<hbm>>, %arg7: memref<32xi32, #tpu.memory_space<vmem>>, %arg8: memref<5x128xi32, #tpu.memory_space<vmem>>, %arg9: memref<32x64xf32, #tpu.memory_space<vmem>>, %arg10: memref<640x64xf32, #tpu.memory_space<vmem>>, %arg11: memref<1024xf32, #tpu.memory_space<vmem>>, %arg12: memref<!tpu.dma_semaphore, #tpu.memory_space<semaphore_mem>>, %arg13: memref<!tpu.dma_semaphore, #tpu.memory_space<semaphore_mem>>) attributes {dimension_semantics = [#tpu.dimension_semantics<core_parallel>, #tpu.dimension_semantics<subcore_parallel>], iteration_bounds = array<i64: 2, 16>, scalar_prefetch = 0 : i64, scratch_operands = 7 : i64, tpu.core_type = #tpu.core_type<sc_vector_subcore>, window_params = [{transform_indices = #map}, {transform_indices = #map}, {transform_indices = #map1}, {transform_indices = #map1}, {transform_indices = #map}]} {
    %mul3A = arith.constant 2 : i32
    %mul3A_0 = arith.muli %arg1, %mul3A : i32
    %add3A = arith.addi %mul3A_0, %arg0 : i32
    %iota3A = tpu.iota {dimensions = array<i32: 0>} : vector<16xi32>
    %xor3A = arith.constant 1 : i32
    %xor3A_1 = vector.broadcast %xor3A : i32 to vector<16xi32>
    %xor3A_2 = arith.xori %iota3A, %xor3A_1 : vector<16xi32>
    %reshape3A = vector.shape_cast %xor3A_2 : vector<16xi32> to vector<16x1xi32>
    %xor3A_3 = arith.constant 2 : i32
    %xor3A_4 = vector.broadcast %xor3A_3 : i32 to vector<16xi32>
    %xor3A_5 = arith.xori %iota3A, %xor3A_4 : vector<16xi32>
    %reshape3A_6 = vector.shape_cast %xor3A_5 : vector<16xi32> to vector<16x1xi32>
    %xor3A_7 = arith.constant 4 : i32
    %xor3A_8 = vector.broadcast %xor3A_7 : i32 to vector<16xi32>
    %xor3A_9 = arith.xori %iota3A, %xor3A_8 : vector<16xi32>
    %reshape3A_10 = vector.shape_cast %xor3A_9 : vector<16xi32> to vector<16x1xi32>
    %xor3A_11 = arith.constant 8 : i32
    %xor3A_12 = vector.broadcast %xor3A_11 : i32 to vector<16xi32>
    %xor3A_13 = arith.xori %iota3A, %xor3A_12 : vector<16xi32>
    %reshape3A_14 = vector.shape_cast %xor3A_13 : vector<16xi32> to vector<16x1xi32>
    %scan3A = arith.constant 0 : i32
    %scan3A_15 = arith.constant 16 : i32
    %scan3A_16 = arith.addi %scan3A, %scan3A_15 : i32
    %scan3A_17 = arith.constant 1 : i32
    scf.for %scan3A_19 = %scan3A to %scan3A_16 step %scan3A_17  : i32 {
      %mul3A_20 = arith.constant 512 : i32
      %mul3A_21 = arith.muli %add3A, %mul3A_20 : i32
      %mul3A_22 = arith.constant 32 : i32
      %mul3A_23 = arith.muli %scan3A_19, %mul3A_22 : i32
      %add3A_24 = arith.addi %mul3A_21, %mul3A_23 : i32
      "tpu.region"() ({
        %run_scoped3A_160 = tpu.sem_alloc : memref<!tpu.dma_semaphore, #tpu.memory_space<semaphore_mem>>
        %dma_start3A_161 = tpu.memref_slice %arg2[%add3A_24] : memref<16384xi32, #tpu.memory_space<hbm>> -> memref<32xi32, #tpu.memory_space<hbm>>
        %dma_start3A_162 = tpu.memref_slice %arg2[%add3A_24] : memref<16384xi32, #tpu.memory_space<hbm>> -> memref<32xi32, #tpu.memory_space<hbm>>
        tpu.enqueue_dma source(%dma_start3A_162 : memref<32xi32, #tpu.memory_space<hbm>>) target(%arg7 : memref<32xi32, #tpu.memory_space<vmem>>) target_semaphore(%run_scoped3A_160 : memref<!tpu.dma_semaphore, #tpu.memory_space<semaphore_mem>>)
        %dma_wait3A_163 = tpu.memref_slice %arg2[%add3A_24] : memref<16384xi32, #tpu.memory_space<hbm>> -> memref<32xi32, #tpu.memory_space<hbm>>
        %dma_wait3A_164 = tpu.memref_slice %arg2[%add3A_24] : memref<16384xi32, #tpu.memory_space<hbm>> -> memref<32xi32, #tpu.memory_space<hbm>>
        tpu.wait_dma2 semaphore(%run_scoped3A_160 : memref<!tpu.dma_semaphore, #tpu.memory_space<semaphore_mem>>) src(%dma_wait3A_164 : memref<32xi32, #tpu.memory_space<hbm>>) dst(%arg7 : memref<32xi32, #tpu.memory_space<vmem>>)
        tpu.yield
      }) : () -> ()
      %mul3A_25 = arith.constant 20 : i32
      %mul3A_26 = arith.muli %add3A_24, %mul3A_25 : i32
      %add3A_27 = arith.constant 0 : i32
      %add3A_28 = arith.addi %mul3A_26, %add3A_27 : i32
      %run_scoped3A = arith.constant 0 : i32
      "tpu.region"() ({
        %run_scoped3A_160 = tpu.sem_alloc : memref<!tpu.dma_semaphore, #tpu.memory_space<semaphore_mem>>
        %dma_start3A_161 = arith.constant 0 : i32
        %dma_start3A_162 = tpu.memref_slice %arg8[%run_scoped3A, %dma_start3A_161] : memref<5x128xi32, #tpu.memory_space<vmem>> -> memref<1x128xi32, #tpu.memory_space<vmem>>
        %dma_start3A_163 = tpu.memref_squeeze %dma_start3A_162 : memref<1x128xi32, #tpu.memory_space<vmem>> -> memref<128xi32, #tpu.memory_space<vmem>>
        %dma_start3A_164 = tpu.memref_slice %arg3[%add3A_28] : memref<327680xi32, #tpu.memory_space<hbm>> -> memref<128xi32, #tpu.memory_space<hbm>>
        %dma_start3A_165 = arith.constant 0 : i32
        %dma_start3A_166 = tpu.memref_slice %arg8[%run_scoped3A, %dma_start3A_165] : memref<5x128xi32, #tpu.memory_space<vmem>> -> memref<1x128xi32, #tpu.memory_space<vmem>>
        %dma_start3A_167 = tpu.memref_squeeze %dma_start3A_166 : memref<1x128xi32, #tpu.memory_space<vmem>> -> memref<128xi32, #tpu.memory_space<vmem>>
        %dma_start3A_168 = tpu.memref_slice %arg3[%add3A_28] : memref<327680xi32, #tpu.memory_space<hbm>> -> memref<128xi32, #tpu.memory_space<hbm>>
        tpu.enqueue_dma source(%dma_start3A_168 : memref<128xi32, #tpu.memory_space<hbm>>) target(%dma_start3A_167 : memref<128xi32, #tpu.memory_space<vmem>>) target_semaphore(%run_scoped3A_160 : memref<!tpu.dma_semaphore, #tpu.memory_space<semaphore_mem>>)
        %dma_wait3A_169 = arith.constant 0 : i32
        %dma_wait3A_170 = tpu.memref_slice %arg8[%run_scoped3A, %dma_wait3A_169] : memref<5x128xi32, #tpu.memory_space<vmem>> -> memref<1x128xi32, #tpu.memory_space<vmem>>
        %dma_wait3A_171 = tpu.memref_squeeze %dma_wait3A_170 : memref<1x128xi32, #tpu.memory_space<vmem>> -> memref<128xi32, #tpu.memory_space<vmem>>
        %dma_wait3A_172 = tpu.memref_slice %arg3[%add3A_28] : memref<327680xi32, #tpu.memory_space<hbm>> -> memref<128xi32, #tpu.memory_space<hbm>>
        %dma_wait3A_173 = arith.constant 0 : i32
        %dma_wait3A_174 = tpu.memref_slice %arg8[%run_scoped3A, %dma_wait3A_173] : memref<5x128xi32, #tpu.memory_space<vmem>> -> memref<1x128xi32, #tpu.memory_space<vmem>>
        %dma_wait3A_175 = tpu.memref_squeeze %dma_wait3A_174 : memref<1x128xi32, #tpu.memory_space<vmem>> -> memref<128xi32, #tpu.memory_space<vmem>>
        %dma_wait3A_176 = tpu.memref_slice %arg3[%add3A_28] : memref<327680xi32, #tpu.memory_space<hbm>> -> memref<128xi32, #tpu.memory_space<hbm>>
        tpu.wait_dma2 semaphore(%run_scoped3A_160 : memref<!tpu.dma_semaphore, #tpu.memory_space<semaphore_mem>>) src(%dma_wait3A_176 : memref<128xi32, #tpu.memory_space<hbm>>) dst(%dma_wait3A_175 : memref<128xi32, #tpu.memory_space<vmem>>)
        tpu.yield
      }) : () -> ()
      %mul3A_29 = arith.constant 20 : i32
      %mul3A_30 = arith.muli %add3A_24, %mul3A_29 : i32
      %add3A_31 = arith.constant 128 : i32
      %add3A_32 = arith.addi %mul3A_30, %add3A_31 : i32
      %run_scoped3A_33 = arith.constant 1 : i32
      "tpu.region"() ({
        %run_scoped3A_160 = tpu.sem_alloc : memref<!tpu.dma_semaphore, #tpu.memory_space<semaphore_mem>>
        %dma_start3A_161 = arith.constant 0 : i32
        %dma_start3A_162 = tpu.memref_slice %arg8[%run_scoped3A_33, %dma_start3A_161] : memref<5x128xi32, #tpu.memory_space<vmem>> -> memref<1x128xi32, #tpu.memory_space<vmem>>
        %dma_start3A_163 = tpu.memref_squeeze %dma_start3A_162 : memref<1x128xi32, #tpu.memory_space<vmem>> -> memref<128xi32, #tpu.memory_space<vmem>>
        %dma_start3A_164 = tpu.memref_slice %arg3[%add3A_32] : memref<327680xi32, #tpu.memory_space<hbm>> -> memref<128xi32, #tpu.memory_space<hbm>>
        %dma_start3A_165 = arith.constant 0 : i32
        %dma_start3A_166 = tpu.memref_slice %arg8[%run_scoped3A_33, %dma_start3A_165] : memref<5x128xi32, #tpu.memory_space<vmem>> -> memref<1x128xi32, #tpu.memory_space<vmem>>
        %dma_start3A_167 = tpu.memref_squeeze %dma_start3A_166 : memref<1x128xi32, #tpu.memory_space<vmem>> -> memref<128xi32, #tpu.memory_space<vmem>>
        %dma_start3A_168 = tpu.memref_slice %arg3[%add3A_32] : memref<327680xi32, #tpu.memory_space<hbm>> -> memref<128xi32, #tpu.memory_space<hbm>>
        tpu.enqueue_dma source(%dma_start3A_168 : memref<128xi32, #tpu.memory_space<hbm>>) target(%dma_start3A_167 : memref<128xi32, #tpu.memory_space<vmem>>) target_semaphore(%run_scoped3A_160 : memref<!tpu.dma_semaphore, #tpu.memory_space<semaphore_mem>>)
        %dma_wait3A_169 = arith.constant 0 : i32
        %dma_wait3A_170 = tpu.memref_slice %arg8[%run_scoped3A_33, %dma_wait3A_169] : memref<5x128xi32, #tpu.memory_space<vmem>> -> memref<1x128xi32, #tpu.memory_space<vmem>>
        %dma_wait3A_171 = tpu.memref_squeeze %dma_wait3A_170 : memref<1x128xi32, #tpu.memory_space<vmem>> -> memref<128xi32, #tpu.memory_space<vmem>>
        %dma_wait3A_172 = tpu.memref_slice %arg3[%add3A_32] : memref<327680xi32, #tpu.memory_space<hbm>> -> memref<128xi32, #tpu.memory_space<hbm>>
        %dma_wait3A_173 = arith.constant 0 : i32
        %dma_wait3A_174 = tpu.memref_slice %arg8[%run_scoped3A_33, %dma_wait3A_173] : memref<5x128xi32, #tpu.memory_space<vmem>> -> memref<1x128xi32, #tpu.memory_space<vmem>>
        %dma_wait3A_175 = tpu.memref_squeeze %dma_wait3A_174 : memref<1x128xi32, #tpu.memory_space<vmem>> -> memref<128xi32, #tpu.memory_space<vmem>>
        %dma_wait3A_176 = tpu.memref_slice %arg3[%add3A_32] : memref<327680xi32, #tpu.memory_space<hbm>> -> memref<128xi32, #tpu.memory_space<hbm>>
        tpu.wait_dma2 semaphore(%run_scoped3A_160 : memref<!tpu.dma_semaphore, #tpu.memory_space<semaphore_mem>>) src(%dma_wait3A_176 : memref<128xi32, #tpu.memory_space<hbm>>) dst(%dma_wait3A_175 : memref<128xi32, #tpu.memory_space<vmem>>)
        tpu.yield
      }) : () -> ()
      %mul3A_34 = arith.constant 20 : i32
      %mul3A_35 = arith.muli %add3A_24, %mul3A_34 : i32
      %add3A_36 = arith.constant 256 : i32
      %add3A_37 = arith.addi %mul3A_35, %add3A_36 : i32
      %run_scoped3A_38 = arith.constant 2 : i32
      "tpu.region"() ({
        %run_scoped3A_160 = tpu.sem_alloc : memref<!tpu.dma_semaphore, #tpu.memory_space<semaphore_mem>>
        %dma_start3A_161 = arith.constant 0 : i32
        %dma_start3A_162 = tpu.memref_slice %arg8[%run_scoped3A_38, %dma_start3A_161] : memref<5x128xi32, #tpu.memory_space<vmem>> -> memref<1x128xi32, #tpu.memory_space<vmem>>
        %dma_start3A_163 = tpu.memref_squeeze %dma_start3A_162 : memref<1x128xi32, #tpu.memory_space<vmem>> -> memref<128xi32, #tpu.memory_space<vmem>>
        %dma_start3A_164 = tpu.memref_slice %arg3[%add3A_37] : memref<327680xi32, #tpu.memory_space<hbm>> -> memref<128xi32, #tpu.memory_space<hbm>>
        %dma_start3A_165 = arith.constant 0 : i32
        %dma_start3A_166 = tpu.memref_slice %arg8[%run_scoped3A_38, %dma_start3A_165] : memref<5x128xi32, #tpu.memory_space<vmem>> -> memref<1x128xi32, #tpu.memory_space<vmem>>
        %dma_start3A_167 = tpu.memref_squeeze %dma_start3A_166 : memref<1x128xi32, #tpu.memory_space<vmem>> -> memref<128xi32, #tpu.memory_space<vmem>>
        %dma_start3A_168 = tpu.memref_slice %arg3[%add3A_37] : memref<327680xi32, #tpu.memory_space<hbm>> -> memref<128xi32, #tpu.memory_space<hbm>>
        tpu.enqueue_dma source(%dma_start3A_168 : memref<128xi32, #tpu.memory_space<hbm>>) target(%dma_start3A_167 : memref<128xi32, #tpu.memory_space<vmem>>) target_semaphore(%run_scoped3A_160 : memref<!tpu.dma_semaphore, #tpu.memory_space<semaphore_mem>>)
        %dma_wait3A_169 = arith.constant 0 : i32
        %dma_wait3A_170 = tpu.memref_slice %arg8[%run_scoped3A_38, %dma_wait3A_169] : memref<5x128xi32, #tpu.memory_space<vmem>> -> memref<1x128xi32, #tpu.memory_space<vmem>>
        %dma_wait3A_171 = tpu.memref_squeeze %dma_wait3A_170 : memref<1x128xi32, #tpu.memory_space<vmem>> -> memref<128xi32, #tpu.memory_space<vmem>>
        %dma_wait3A_172 = tpu.memref_slice %arg3[%add3A_37] : memref<327680xi32, #tpu.memory_space<hbm>> -> memref<128xi32, #tpu.memory_space<hbm>>
        %dma_wait3A_173 = arith.constant 0 : i32
        %dma_wait3A_174 = tpu.memref_slice %arg8[%run_scoped3A_38, %dma_wait3A_173] : memref<5x128xi32, #tpu.memory_space<vmem>> -> memref<1x128xi32, #tpu.memory_space<vmem>>
        %dma_wait3A_175 = tpu.memref_squeeze %dma_wait3A_174 : memref<1x128xi32, #tpu.memory_space<vmem>> -> memref<128xi32, #tpu.memory_space<vmem>>
        %dma_wait3A_176 = tpu.memref_slice %arg3[%add3A_37] : memref<327680xi32, #tpu.memory_space<hbm>> -> memref<128xi32, #tpu.memory_space<hbm>>
        tpu.wait_dma2 semaphore(%run_scoped3A_160 : memref<!tpu.dma_semaphore, #tpu.memory_space<semaphore_mem>>) src(%dma_wait3A_176 : memref<128xi32, #tpu.memory_space<hbm>>) dst(%dma_wait3A_175 : memref<128xi32, #tpu.memory_space<vmem>>)
        tpu.yield
      }) : () -> ()
      %mul3A_39 = arith.constant 20 : i32
      %mul3A_40 = arith.muli %add3A_24, %mul3A_39 : i32
      %add3A_41 = arith.constant 384 : i32
      %add3A_42 = arith.addi %mul3A_40, %add3A_41 : i32
      %run_scoped3A_43 = arith.constant 3 : i32
      "tpu.region"() ({
        %run_scoped3A_160 = tpu.sem_alloc : memref<!tpu.dma_semaphore, #tpu.memory_space<semaphore_mem>>
        %dma_start3A_161 = arith.constant 0 : i32
        %dma_start3A_162 = tpu.memref_slice %arg8[%run_scoped3A_43, %dma_start3A_161] : memref<5x128xi32, #tpu.memory_space<vmem>> -> memref<1x128xi32, #tpu.memory_space<vmem>>
        %dma_start3A_163 = tpu.memref_squeeze %dma_start3A_162 : memref<1x128xi32, #tpu.memory_space<vmem>> -> memref<128xi32, #tpu.memory_space<vmem>>
        %dma_start3A_164 = tpu.memref_slice %arg3[%add3A_42] : memref<327680xi32, #tpu.memory_space<hbm>> -> memref<128xi32, #tpu.memory_space<hbm>>
        %dma_start3A_165 = arith.constant 0 : i32
        %dma_start3A_166 = tpu.memref_slice %arg8[%run_scoped3A_43, %dma_start3A_165] : memref<5x128xi32, #tpu.memory_space<vmem>> -> memref<1x128xi32, #tpu.memory_space<vmem>>
        %dma_start3A_167 = tpu.memref_squeeze %dma_start3A_166 : memref<1x128xi32, #tpu.memory_space<vmem>> -> memref<128xi32, #tpu.memory_space<vmem>>
        %dma_start3A_168 = tpu.memref_slice %arg3[%add3A_42] : memref<327680xi32, #tpu.memory_space<hbm>> -> memref<128xi32, #tpu.memory_space<hbm>>
        tpu.enqueue_dma source(%dma_start3A_168 : memref<128xi32, #tpu.memory_space<hbm>>) target(%dma_start3A_167 : memref<128xi32, #tpu.memory_space<vmem>>) target_semaphore(%run_scoped3A_160 : memref<!tpu.dma_semaphore, #tpu.memory_space<semaphore_mem>>)
        %dma_wait3A_169 = arith.constant 0 : i32
        %dma_wait3A_170 = tpu.memref_slice %arg8[%run_scoped3A_43, %dma_wait3A_169] : memref<5x128xi32, #tpu.memory_space<vmem>> -> memref<1x128xi32, #tpu.memory_space<vmem>>
        %dma_wait3A_171 = tpu.memref_squeeze %dma_wait3A_170 : memref<1x128xi32, #tpu.memory_space<vmem>> -> memref<128xi32, #tpu.memory_space<vmem>>
        %dma_wait3A_172 = tpu.memref_slice %arg3[%add3A_42] : memref<327680xi32, #tpu.memory_space<hbm>> -> memref<128xi32, #tpu.memory_space<hbm>>
        %dma_wait3A_173 = arith.constant 0 : i32
        %dma_wait3A_174 = tpu.memref_slice %arg8[%run_scoped3A_43, %dma_wait3A_173] : memref<5x128xi32, #tpu.memory_space<vmem>> -> memref<1x128xi32, #tpu.memory_space<vmem>>
        %dma_wait3A_175 = tpu.memref_squeeze %dma_wait3A_174 : memref<1x128xi32, #tpu.memory_space<vmem>> -> memref<128xi32, #tpu.memory_space<vmem>>
        %dma_wait3A_176 = tpu.memref_slice %arg3[%add3A_42] : memref<327680xi32, #tpu.memory_space<hbm>> -> memref<128xi32, #tpu.memory_space<hbm>>
        tpu.wait_dma2 semaphore(%run_scoped3A_160 : memref<!tpu.dma_semaphore, #tpu.memory_space<semaphore_mem>>) src(%dma_wait3A_176 : memref<128xi32, #tpu.memory_space<hbm>>) dst(%dma_wait3A_175 : memref<128xi32, #tpu.memory_space<vmem>>)
        tpu.yield
      }) : () -> ()
      %mul3A_44 = arith.constant 20 : i32
      %mul3A_45 = arith.muli %add3A_24, %mul3A_44 : i32
      %add3A_46 = arith.constant 512 : i32
      %add3A_47 = arith.addi %mul3A_45, %add3A_46 : i32
      %run_scoped3A_48 = arith.constant 4 : i32
      "tpu.region"() ({
        %run_scoped3A_160 = tpu.sem_alloc : memref<!tpu.dma_semaphore, #tpu.memory_space<semaphore_mem>>
        %dma_start3A_161 = arith.constant 0 : i32
        %dma_start3A_162 = tpu.memref_slice %arg8[%run_scoped3A_48, %dma_start3A_161] : memref<5x128xi32, #tpu.memory_space<vmem>> -> memref<1x128xi32, #tpu.memory_space<vmem>>
        %dma_start3A_163 = tpu.memref_squeeze %dma_start3A_162 : memref<1x128xi32, #tpu.memory_space<vmem>> -> memref<128xi32, #tpu.memory_space<vmem>>
        %dma_start3A_164 = tpu.memref_slice %arg3[%add3A_47] : memref<327680xi32, #tpu.memory_space<hbm>> -> memref<128xi32, #tpu.memory_space<hbm>>
        %dma_start3A_165 = arith.constant 0 : i32
        %dma_start3A_166 = tpu.memref_slice %arg8[%run_scoped3A_48, %dma_start3A_165] : memref<5x128xi32, #tpu.memory_space<vmem>> -> memref<1x128xi32, #tpu.memory_space<vmem>>
        %dma_start3A_167 = tpu.memref_squeeze %dma_start3A_166 : memref<1x128xi32, #tpu.memory_space<vmem>> -> memref<128xi32, #tpu.memory_space<vmem>>
        %dma_start3A_168 = tpu.memref_slice %arg3[%add3A_47] : memref<327680xi32, #tpu.memory_space<hbm>> -> memref<128xi32, #tpu.memory_space<hbm>>
        tpu.enqueue_dma source(%dma_start3A_168 : memref<128xi32, #tpu.memory_space<hbm>>) target(%dma_start3A_167 : memref<128xi32, #tpu.memory_space<vmem>>) target_semaphore(%run_scoped3A_160 : memref<!tpu.dma_semaphore, #tpu.memory_space<semaphore_mem>>)
        %dma_wait3A_169 = arith.constant 0 : i32
        %dma_wait3A_170 = tpu.memref_slice %arg8[%run_scoped3A_48, %dma_wait3A_169] : memref<5x128xi32, #tpu.memory_space<vmem>> -> memref<1x128xi32, #tpu.memory_space<vmem>>
        %dma_wait3A_171 = tpu.memref_squeeze %dma_wait3A_170 : memref<1x128xi32, #tpu.memory_space<vmem>> -> memref<128xi32, #tpu.memory_space<vmem>>
        %dma_wait3A_172 = tpu.memref_slice %arg3[%add3A_47] : memref<327680xi32, #tpu.memory_space<hbm>> -> memref<128xi32, #tpu.memory_space<hbm>>
        %dma_wait3A_173 = arith.constant 0 : i32
        %dma_wait3A_174 = tpu.memref_slice %arg8[%run_scoped3A_48, %dma_wait3A_173] : memref<5x128xi32, #tpu.memory_space<vmem>> -> memref<1x128xi32, #tpu.memory_space<vmem>>
        %dma_wait3A_175 = tpu.memref_squeeze %dma_wait3A_174 : memref<1x128xi32, #tpu.memory_space<vmem>> -> memref<128xi32, #tpu.memory_space<vmem>>
        %dma_wait3A_176 = tpu.memref_slice %arg3[%add3A_47] : memref<327680xi32, #tpu.memory_space<hbm>> -> memref<128xi32, #tpu.memory_space<hbm>>
        tpu.wait_dma2 semaphore(%run_scoped3A_160 : memref<!tpu.dma_semaphore, #tpu.memory_space<semaphore_mem>>) src(%dma_wait3A_176 : memref<128xi32, #tpu.memory_space<hbm>>) dst(%dma_wait3A_175 : memref<128xi32, #tpu.memory_space<vmem>>)
        tpu.yield
      }) : () -> ()
      %dma_start3A = arith.constant 0 : i32
      %dma_start3A_49 = arith.constant 0 : i32
      %dma_start3A_50 = tpu.memref_slice %arg5[%dma_start3A, %dma_start3A_49] : memref<1000000x64xf32, #tpu.memory_space<hbm>> -> memref<1000000x64xf32, #tpu.memory_space<hbm>>
      tpu.enqueue_indirect_dma source(%dma_start3A_50 : memref<1000000x64xf32, #tpu.memory_space<hbm>>) target(%arg9 : memref<32x64xf32, #tpu.memory_space<vmem>>) offsets(%arg7 : memref<32xi32, #tpu.memory_space<vmem>>) semaphore(%arg13 : memref<!tpu.dma_semaphore, #tpu.memory_space<semaphore_mem>>)
      %dma_start3A_51 = arith.constant 0 : i32
      %dma_start3A_52 = arith.constant 0 : i32
      %dma_start3A_53 = arith.constant 0 : i32
      %dma_start3A_54 = tpu.memref_slice %arg10[%dma_start3A_52, %dma_start3A_53] : memref<640x64xf32, #tpu.memory_space<vmem>> -> memref<128x64xf32, #tpu.memory_space<vmem>>
      %dma_start3A_55 = arith.constant 0 : i32
      %dma_start3A_56 = tpu.memref_slice %arg8[%dma_start3A_51, %dma_start3A_55] : memref<5x128xi32, #tpu.memory_space<vmem>> -> memref<1x128xi32, #tpu.memory_space<vmem>>
      %dma_start3A_57 = tpu.memref_squeeze %dma_start3A_56 : memref<1x128xi32, #tpu.memory_space<vmem>> -> memref<128xi32, #tpu.memory_space<vmem>>
      %dma_start3A_58 = arith.constant 0 : i32
      %dma_start3A_59 = arith.constant 0 : i32
      %dma_start3A_60 = tpu.memref_slice %arg4[%dma_start3A_58, %dma_start3A_59] : memref<1000000x64xf32, #tpu.memory_space<hbm>> -> memref<1000000x64xf32, #tpu.memory_space<hbm>>
      tpu.enqueue_indirect_dma source(%dma_start3A_60 : memref<1000000x64xf32, #tpu.memory_space<hbm>>) target(%dma_start3A_54 : memref<128x64xf32, #tpu.memory_space<vmem>>) offsets(%dma_start3A_57 : memref<128xi32, #tpu.memory_space<vmem>>) semaphore(%arg12 : memref<!tpu.dma_semaphore, #tpu.memory_space<semaphore_mem>>)
      %dma_start3A_61 = arith.constant 1 : i32
      %dma_start3A_62 = arith.constant 128 : i32
      %dma_start3A_63 = arith.constant 0 : i32
      %dma_start3A_64 = tpu.memref_slice %arg10[%dma_start3A_62, %dma_start3A_63] : memref<640x64xf32, #tpu.memory_space<vmem>> -> memref<128x64xf32, #tpu.memory_space<vmem>>
      %dma_start3A_65 = arith.constant 0 : i32
      %dma_start3A_66 = tpu.memref_slice %arg8[%dma_start3A_61, %dma_start3A_65] : memref<5x128xi32, #tpu.memory_space<vmem>> -> memref<1x128xi32, #tpu.memory_space<vmem>>
      %dma_start3A_67 = tpu.memref_squeeze %dma_start3A_66 : memref<1x128xi32, #tpu.memory_space<vmem>> -> memref<128xi32, #tpu.memory_space<vmem>>
      %dma_start3A_68 = arith.constant 0 : i32
      %dma_start3A_69 = arith.constant 0 : i32
      %dma_start3A_70 = tpu.memref_slice %arg4[%dma_start3A_68, %dma_start3A_69] : memref<1000000x64xf32, #tpu.memory_space<hbm>> -> memref<1000000x64xf32, #tpu.memory_space<hbm>>
      tpu.enqueue_indirect_dma source(%dma_start3A_70 : memref<1000000x64xf32, #tpu.memory_space<hbm>>) target(%dma_start3A_64 : memref<128x64xf32, #tpu.memory_space<vmem>>) offsets(%dma_start3A_67 : memref<128xi32, #tpu.memory_space<vmem>>) semaphore(%arg12 : memref<!tpu.dma_semaphore, #tpu.memory_space<semaphore_mem>>)
      %dma_start3A_71 = arith.constant 2 : i32
      %dma_start3A_72 = arith.constant 256 : i32
      %dma_start3A_73 = arith.constant 0 : i32
      %dma_start3A_74 = tpu.memref_slice %arg10[%dma_start3A_72, %dma_start3A_73] : memref<640x64xf32, #tpu.memory_space<vmem>> -> memref<128x64xf32, #tpu.memory_space<vmem>>
      %dma_start3A_75 = arith.constant 0 : i32
      %dma_start3A_76 = tpu.memref_slice %arg8[%dma_start3A_71, %dma_start3A_75] : memref<5x128xi32, #tpu.memory_space<vmem>> -> memref<1x128xi32, #tpu.memory_space<vmem>>
      %dma_start3A_77 = tpu.memref_squeeze %dma_start3A_76 : memref<1x128xi32, #tpu.memory_space<vmem>> -> memref<128xi32, #tpu.memory_space<vmem>>
      %dma_start3A_78 = arith.constant 0 : i32
      %dma_start3A_79 = arith.constant 0 : i32
      %dma_start3A_80 = tpu.memref_slice %arg4[%dma_start3A_78, %dma_start3A_79] : memref<1000000x64xf32, #tpu.memory_space<hbm>> -> memref<1000000x64xf32, #tpu.memory_space<hbm>>
      tpu.enqueue_indirect_dma source(%dma_start3A_80 : memref<1000000x64xf32, #tpu.memory_space<hbm>>) target(%dma_start3A_74 : memref<128x64xf32, #tpu.memory_space<vmem>>) offsets(%dma_start3A_77 : memref<128xi32, #tpu.memory_space<vmem>>) semaphore(%arg12 : memref<!tpu.dma_semaphore, #tpu.memory_space<semaphore_mem>>)
      %dma_start3A_81 = arith.constant 3 : i32
      %dma_start3A_82 = arith.constant 384 : i32
      %dma_start3A_83 = arith.constant 0 : i32
      %dma_start3A_84 = tpu.memref_slice %arg10[%dma_start3A_82, %dma_start3A_83] : memref<640x64xf32, #tpu.memory_space<vmem>> -> memref<128x64xf32, #tpu.memory_space<vmem>>
      %dma_start3A_85 = arith.constant 0 : i32
      %dma_start3A_86 = tpu.memref_slice %arg8[%dma_start3A_81, %dma_start3A_85] : memref<5x128xi32, #tpu.memory_space<vmem>> -> memref<1x128xi32, #tpu.memory_space<vmem>>
      %dma_start3A_87 = tpu.memref_squeeze %dma_start3A_86 : memref<1x128xi32, #tpu.memory_space<vmem>> -> memref<128xi32, #tpu.memory_space<vmem>>
      %dma_start3A_88 = arith.constant 0 : i32
      %dma_start3A_89 = arith.constant 0 : i32
      %dma_start3A_90 = tpu.memref_slice %arg4[%dma_start3A_88, %dma_start3A_89] : memref<1000000x64xf32, #tpu.memory_space<hbm>> -> memref<1000000x64xf32, #tpu.memory_space<hbm>>
      tpu.enqueue_indirect_dma source(%dma_start3A_90 : memref<1000000x64xf32, #tpu.memory_space<hbm>>) target(%dma_start3A_84 : memref<128x64xf32, #tpu.memory_space<vmem>>) offsets(%dma_start3A_87 : memref<128xi32, #tpu.memory_space<vmem>>) semaphore(%arg12 : memref<!tpu.dma_semaphore, #tpu.memory_space<semaphore_mem>>)
      %dma_start3A_91 = arith.constant 4 : i32
      %dma_start3A_92 = arith.constant 512 : i32
      %dma_start3A_93 = arith.constant 0 : i32
      %dma_start3A_94 = tpu.memref_slice %arg10[%dma_start3A_92, %dma_start3A_93] : memref<640x64xf32, #tpu.memory_space<vmem>> -> memref<128x64xf32, #tpu.memory_space<vmem>>
      %dma_start3A_95 = arith.constant 0 : i32
      %dma_start3A_96 = tpu.memref_slice %arg8[%dma_start3A_91, %dma_start3A_95] : memref<5x128xi32, #tpu.memory_space<vmem>> -> memref<1x128xi32, #tpu.memory_space<vmem>>
      %dma_start3A_97 = tpu.memref_squeeze %dma_start3A_96 : memref<1x128xi32, #tpu.memory_space<vmem>> -> memref<128xi32, #tpu.memory_space<vmem>>
      %dma_start3A_98 = arith.constant 0 : i32
      %dma_start3A_99 = arith.constant 0 : i32
      %dma_start3A_100 = tpu.memref_slice %arg4[%dma_start3A_98, %dma_start3A_99] : memref<1000000x64xf32, #tpu.memory_space<hbm>> -> memref<1000000x64xf32, #tpu.memory_space<hbm>>
      tpu.enqueue_indirect_dma source(%dma_start3A_100 : memref<1000000x64xf32, #tpu.memory_space<hbm>>) target(%dma_start3A_94 : memref<128x64xf32, #tpu.memory_space<vmem>>) offsets(%dma_start3A_97 : memref<128xi32, #tpu.memory_space<vmem>>) semaphore(%arg12 : memref<!tpu.dma_semaphore, #tpu.memory_space<semaphore_mem>>)
      %dma_wait3A = arith.constant 0 : i32
      %dma_wait3A_101 = arith.constant 0 : i32
      %dma_wait3A_102 = tpu.memref_slice %arg5[%dma_wait3A, %dma_wait3A_101] : memref<1000000x64xf32, #tpu.memory_space<hbm>> -> memref<1000000x64xf32, #tpu.memory_space<hbm>>
      tpu.wait_indirect_dma semaphore(%arg13 : memref<!tpu.dma_semaphore, #tpu.memory_space<semaphore_mem>>) src(%dma_wait3A_102 : memref<1000000x64xf32, #tpu.memory_space<hbm>>) dst(%arg9 : memref<32x64xf32, #tpu.memory_space<vmem>>)
      %dma_wait3A_103 = arith.constant 0 : i32
      %dma_wait3A_104 = arith.constant 0 : i32
      %dma_wait3A_105 = arith.constant 0 : i32
      %dma_wait3A_106 = tpu.memref_slice %arg10[%dma_wait3A_104, %dma_wait3A_105] : memref<640x64xf32, #tpu.memory_space<vmem>> -> memref<128x64xf32, #tpu.memory_space<vmem>>
      %dma_wait3A_107 = arith.constant 0 : i32
      %dma_wait3A_108 = tpu.memref_slice %arg8[%dma_wait3A_103, %dma_wait3A_107] : memref<5x128xi32, #tpu.memory_space<vmem>> -> memref<1x128xi32, #tpu.memory_space<vmem>>
      %dma_wait3A_109 = tpu.memref_squeeze %dma_wait3A_108 : memref<1x128xi32, #tpu.memory_space<vmem>> -> memref<128xi32, #tpu.memory_space<vmem>>
      %dma_wait3A_110 = arith.constant 0 : i32
      %dma_wait3A_111 = arith.constant 0 : i32
      %dma_wait3A_112 = tpu.memref_slice %arg4[%dma_wait3A_110, %dma_wait3A_111] : memref<1000000x64xf32, #tpu.memory_space<hbm>> -> memref<1000000x64xf32, #tpu.memory_space<hbm>>
      tpu.wait_indirect_dma semaphore(%arg12 : memref<!tpu.dma_semaphore, #tpu.memory_space<semaphore_mem>>) src(%dma_wait3A_112 : memref<1000000x64xf32, #tpu.memory_space<hbm>>) dst(%dma_wait3A_106 : memref<128x64xf32, #tpu.memory_space<vmem>>)
      %dma_wait3A_113 = arith.constant 1 : i32
      %dma_wait3A_114 = arith.constant 128 : i32
      %dma_wait3A_115 = arith.constant 0 : i32
      %dma_wait3A_116 = tpu.memref_slice %arg10[%dma_wait3A_114, %dma_wait3A_115] : memref<640x64xf32, #tpu.memory_space<vmem>> -> memref<128x64xf32, #tpu.memory_space<vmem>>
      %dma_wait3A_117 = arith.constant 0 : i32
      %dma_wait3A_118 = tpu.memref_slice %arg8[%dma_wait3A_113, %dma_wait3A_117] : memref<5x128xi32, #tpu.memory_space<vmem>> -> memref<1x128xi32, #tpu.memory_space<vmem>>
      %dma_wait3A_119 = tpu.memref_squeeze %dma_wait3A_118 : memref<1x128xi32, #tpu.memory_space<vmem>> -> memref<128xi32, #tpu.memory_space<vmem>>
      %dma_wait3A_120 = arith.constant 0 : i32
      %dma_wait3A_121 = arith.constant 0 : i32
      %dma_wait3A_122 = tpu.memref_slice %arg4[%dma_wait3A_120, %dma_wait3A_121] : memref<1000000x64xf32, #tpu.memory_space<hbm>> -> memref<1000000x64xf32, #tpu.memory_space<hbm>>
      tpu.wait_indirect_dma semaphore(%arg12 : memref<!tpu.dma_semaphore, #tpu.memory_space<semaphore_mem>>) src(%dma_wait3A_122 : memref<1000000x64xf32, #tpu.memory_space<hbm>>) dst(%dma_wait3A_116 : memref<128x64xf32, #tpu.memory_space<vmem>>)
      %dma_wait3A_123 = arith.constant 2 : i32
      %dma_wait3A_124 = arith.constant 256 : i32
      %dma_wait3A_125 = arith.constant 0 : i32
      %dma_wait3A_126 = tpu.memref_slice %arg10[%dma_wait3A_124, %dma_wait3A_125] : memref<640x64xf32, #tpu.memory_space<vmem>> -> memref<128x64xf32, #tpu.memory_space<vmem>>
      %dma_wait3A_127 = arith.constant 0 : i32
      %dma_wait3A_128 = tpu.memref_slice %arg8[%dma_wait3A_123, %dma_wait3A_127] : memref<5x128xi32, #tpu.memory_space<vmem>> -> memref<1x128xi32, #tpu.memory_space<vmem>>
      %dma_wait3A_129 = tpu.memref_squeeze %dma_wait3A_128 : memref<1x128xi32, #tpu.memory_space<vmem>> -> memref<128xi32, #tpu.memory_space<vmem>>
      %dma_wait3A_130 = arith.constant 0 : i32
      %dma_wait3A_131 = arith.constant 0 : i32
      %dma_wait3A_132 = tpu.memref_slice %arg4[%dma_wait3A_130, %dma_wait3A_131] : memref<1000000x64xf32, #tpu.memory_space<hbm>> -> memref<1000000x64xf32, #tpu.memory_space<hbm>>
      tpu.wait_indirect_dma semaphore(%arg12 : memref<!tpu.dma_semaphore, #tpu.memory_space<semaphore_mem>>) src(%dma_wait3A_132 : memref<1000000x64xf32, #tpu.memory_space<hbm>>) dst(%dma_wait3A_126 : memref<128x64xf32, #tpu.memory_space<vmem>>)
      %dma_wait3A_133 = arith.constant 3 : i32
      %dma_wait3A_134 = arith.constant 384 : i32
      %dma_wait3A_135 = arith.constant 0 : i32
      %dma_wait3A_136 = tpu.memref_slice %arg10[%dma_wait3A_134, %dma_wait3A_135] : memref<640x64xf32, #tpu.memory_space<vmem>> -> memref<128x64xf32, #tpu.memory_space<vmem>>
      %dma_wait3A_137 = arith.constant 0 : i32
      %dma_wait3A_138 = tpu.memref_slice %arg8[%dma_wait3A_133, %dma_wait3A_137] : memref<5x128xi32, #tpu.memory_space<vmem>> -> memref<1x128xi32, #tpu.memory_space<vmem>>
      %dma_wait3A_139 = tpu.memref_squeeze %dma_wait3A_138 : memref<1x128xi32, #tpu.memory_space<vmem>> -> memref<128xi32, #tpu.memory_space<vmem>>
      %dma_wait3A_140 = arith.constant 0 : i32
      %dma_wait3A_141 = arith.constant 0 : i32
      %dma_wait3A_142 = tpu.memref_slice %arg4[%dma_wait3A_140, %dma_wait3A_141] : memref<1000000x64xf32, #tpu.memory_space<hbm>> -> memref<1000000x64xf32, #tpu.memory_space<hbm>>
      tpu.wait_indirect_dma semaphore(%arg12 : memref<!tpu.dma_semaphore, #tpu.memory_space<semaphore_mem>>) src(%dma_wait3A_142 : memref<1000000x64xf32, #tpu.memory_space<hbm>>) dst(%dma_wait3A_136 : memref<128x64xf32, #tpu.memory_space<vmem>>)
      %dma_wait3A_143 = arith.constant 4 : i32
      %dma_wait3A_144 = arith.constant 512 : i32
      %dma_wait3A_145 = arith.constant 0 : i32
      %dma_wait3A_146 = tpu.memref_slice %arg10[%dma_wait3A_144, %dma_wait3A_145] : memref<640x64xf32, #tpu.memory_space<vmem>> -> memref<128x64xf32, #tpu.memory_space<vmem>>
      %dma_wait3A_147 = arith.constant 0 : i32
      %dma_wait3A_148 = tpu.memref_slice %arg8[%dma_wait3A_143, %dma_wait3A_147] : memref<5x128xi32, #tpu.memory_space<vmem>> -> memref<1x128xi32, #tpu.memory_space<vmem>>
      %dma_wait3A_149 = tpu.memref_squeeze %dma_wait3A_148 : memref<1x128xi32, #tpu.memory_space<vmem>> -> memref<128xi32, #tpu.memory_space<vmem>>
      %dma_wait3A_150 = arith.constant 0 : i32
      %dma_wait3A_151 = arith.constant 0 : i32
      %dma_wait3A_152 = tpu.memref_slice %arg4[%dma_wait3A_150, %dma_wait3A_151] : memref<1000000x64xf32, #tpu.memory_space<hbm>> -> memref<1000000x64xf32, #tpu.memory_space<hbm>>
      tpu.wait_indirect_dma semaphore(%arg12 : memref<!tpu.dma_semaphore, #tpu.memory_space<semaphore_mem>>) src(%dma_wait3A_152 : memref<1000000x64xf32, #tpu.memory_space<hbm>>) dst(%dma_wait3A_146 : memref<128x64xf32, #tpu.memory_space<vmem>>)
      %scan3A_153 = arith.constant 0 : i32
      %scan3A_154 = arith.constant 32 : i32
      %scan3A_155 = arith.addi %scan3A_153, %scan3A_154 : i32
      %scan3A_156 = arith.constant 1 : i32
      scf.for %scan3A_160 = %scan3A_153 to %scan3A_155 step %scan3A_156  : i32 {
        %get3A = arith.index_cast %scan3A_160 : i32 to index
        %get3A_161 = arith.constant 0 : index
        %get3A_162 = tpu.vector_load %arg9[%get3A, %get3A_161] {strides = array<i32>} : memref<32x64xf32, #tpu.memory_space<vmem>>, vector<1x16xf32>,
        %get3A_163 = vector.shape_cast %get3A_162 : vector<1x16xf32> to vector<16xf32>
        %get3A_164 = arith.index_cast %scan3A_160 : i32 to index
        %get3A_165 = arith.constant 16 : index
        %get3A_166 = tpu.vector_load %arg9[%get3A_164, %get3A_165] {strides = array<i32>} : memref<32x64xf32, #tpu.memory_space<vmem>>, vector<1x16xf32>,
        %get3A_167 = vector.shape_cast %get3A_166 : vector<1x16xf32> to vector<16xf32>
        %get3A_168 = arith.index_cast %scan3A_160 : i32 to index
        %get3A_169 = arith.constant 32 : index
        %get3A_170 = tpu.vector_load %arg9[%get3A_168, %get3A_169] {strides = array<i32>} : memref<32x64xf32, #tpu.memory_space<vmem>>, vector<1x16xf32>,
        %get3A_171 = vector.shape_cast %get3A_170 : vector<1x16xf32> to vector<16xf32>
        %get3A_172 = arith.index_cast %scan3A_160 : i32 to index
        %get3A_173 = arith.constant 48 : index
        %get3A_174 = tpu.vector_load %arg9[%get3A_172, %get3A_173] {strides = array<i32>} : memref<32x64xf32, #tpu.memory_space<vmem>>, vector<1x16xf32>,
        %get3A_175 = vector.shape_cast %get3A_174 : vector<1x16xf32> to vector<16xf32>
        %mul3A_176 = arith.constant 20 : i32
        %mul3A_177 = arith.muli %scan3A_160, %mul3A_176 : i32
        %add3A_178 = arith.constant 0 : i32
        %add3A_179 = arith.addi %mul3A_177, %add3A_178 : i32
        %get3A_180 = arith.index_cast %add3A_179 : i32 to index
        %get3A_181 = arith.constant 0 : index
        %get3A_182 = tpu.vector_load %arg10[%get3A_180, %get3A_181] {strides = array<i32>} : memref<640x64xf32, #tpu.memory_space<vmem>>, vector<1x16xf32>,
        %get3A_183 = vector.shape_cast %get3A_182 : vector<1x16xf32> to vector<16xf32>
        %mul3A_184 = arith.mulf %get3A_183, %get3A_163 : vector<16xf32>
        %get3A_185 = arith.index_cast %add3A_179 : i32 to index
        %get3A_186 = arith.constant 16 : index
        %get3A_187 = tpu.vector_load %arg10[%get3A_185, %get3A_186] {strides = array<i32>} : memref<640x64xf32, #tpu.memory_space<vmem>>, vector<1x16xf32>,
        %get3A_188 = vector.shape_cast %get3A_187 : vector<1x16xf32> to vector<16xf32>
        %mul3A_189 = arith.mulf %get3A_188, %get3A_167 : vector<16xf32>
        %add3A_190 = arith.addf %mul3A_184, %mul3A_189 : vector<16xf32>
        %get3A_191 = arith.index_cast %add3A_179 : i32 to index
        %get3A_192 = arith.constant 32 : index
        %get3A_193 = tpu.vector_load %arg10[%get3A_191, %get3A_192] {strides = array<i32>} : memref<640x64xf32, #tpu.memory_space<vmem>>, vector<1x16xf32>,
        %get3A_194 = vector.shape_cast %get3A_193 : vector<1x16xf32> to vector<16xf32>
        %mul3A_195 = arith.mulf %get3A_194, %get3A_171 : vector<16xf32>
        %add3A_196 = arith.addf %add3A_190, %mul3A_195 : vector<16xf32>
        %get3A_197 = arith.index_cast %add3A_179 : i32 to index
        %get3A_198 = arith.constant 48 : index
        %get3A_199 = tpu.vector_load %arg10[%get3A_197, %get3A_198] {strides = array<i32>} : memref<640x64xf32, #tpu.memory_space<vmem>>, vector<1x16xf32>,
        %get3A_200 = vector.shape_cast %get3A_199 : vector<1x16xf32> to vector<16xf32>
        %mul3A_201 = arith.mulf %get3A_200, %get3A_175 : vector<16xf32>
        %add3A_202 = arith.addf %add3A_196, %mul3A_201 : vector<16xf32>
        %gather3A = vector.shape_cast %reshape3A : vector<16x1xi32> to vector<16xi32>
        %gather3A_203 = tpu.dynamic_gather %add3A_202[%gather3A] in [0] : vector<16xf32>, vector<16xi32> -> vector<16xf32>
        %add3A_204 = arith.addf %add3A_202, %gather3A_203 : vector<16xf32>
        %gather3A_205 = vector.shape_cast %reshape3A_6 : vector<16x1xi32> to vector<16xi32>
        %gather3A_206 = tpu.dynamic_gather %add3A_204[%gather3A_205] in [0] : vector<16xf32>, vector<16xi32> -> vector<16xf32>
        %add3A_207 = arith.addf %add3A_204, %gather3A_206 : vector<16xf32>
        %gather3A_208 = vector.shape_cast %reshape3A_10 : vector<16x1xi32> to vector<16xi32>
        %gather3A_209 = tpu.dynamic_gather %add3A_207[%gather3A_208] in [0] : vector<16xf32>, vector<16xi32> -> vector<16xf32>
        %add3A_210 = arith.addf %add3A_207, %gather3A_209 : vector<16xf32>
        %gather3A_211 = vector.shape_cast %reshape3A_14 : vector<16x1xi32> to vector<16xi32>
        %gather3A_212 = tpu.dynamic_gather %add3A_210[%gather3A_211] in [0] : vector<16xf32>, vector<16xi32> -> vector<16xf32>
        %add3A_213 = arith.addf %add3A_210, %gather3A_212 : vector<16xf32>
        %eq3A = arith.constant 1 : i32
        %eq3A_214 = vector.broadcast %eq3A : i32 to vector<16xi32>
        %eq3A_215 = arith.cmpi eq, %iota3A, %eq3A_214 : vector<16xi32>
        %mul3A_216 = arith.constant 20 : i32
        %mul3A_217 = arith.muli %scan3A_160, %mul3A_216 : i32
        %add3A_218 = arith.constant 1 : i32
        %add3A_219 = arith.addi %mul3A_217, %add3A_218 : i32
        %get3A_220 = arith.index_cast %add3A_219 : i32 to index
        %get3A_221 = arith.constant 0 : index
        %get3A_222 = tpu.vector_load %arg10[%get3A_220, %get3A_221] {strides = array<i32>} : memref<640x64xf32, #tpu.memory_space<vmem>>, vector<1x16xf32>,
        %get3A_223 = vector.shape_cast %get3A_222 : vector<1x16xf32> to vector<16xf32>
        %mul3A_224 = arith.mulf %get3A_223, %get3A_163 : vector<16xf32>
        %get3A_225 = arith.index_cast %add3A_219 : i32 to index
        %get3A_226 = arith.constant 16 : index
        %get3A_227 = tpu.vector_load %arg10[%get3A_225, %get3A_226] {strides = array<i32>} : memref<640x64xf32, #tpu.memory_space<vmem>>, vector<1x16xf32>,
        %get3A_228 = vector.shape_cast %get3A_227 : vector<1x16xf32> to vector<16xf32>
        %mul3A_229 = arith.mulf %get3A_228, %get3A_167 : vector<16xf32>
        %add3A_230 = arith.addf %mul3A_224, %mul3A_229 : vector<16xf32>
        %get3A_231 = arith.index_cast %add3A_219 : i32 to index
        %get3A_232 = arith.constant 32 : index
        %get3A_233 = tpu.vector_load %arg10[%get3A_231, %get3A_232] {strides = array<i32>} : memref<640x64xf32, #tpu.memory_space<vmem>>, vector<1x16xf32>,
        %get3A_234 = vector.shape_cast %get3A_233 : vector<1x16xf32> to vector<16xf32>
        %mul3A_235 = arith.mulf %get3A_234, %get3A_171 : vector<16xf32>
        %add3A_236 = arith.addf %add3A_230, %mul3A_235 : vector<16xf32>
        %get3A_237 = arith.index_cast %add3A_219 : i32 to index
        %get3A_238 = arith.constant 48 : index
        %get3A_239 = tpu.vector_load %arg10[%get3A_237, %get3A_238] {strides = array<i32>} : memref<640x64xf32, #tpu.memory_space<vmem>>, vector<1x16xf32>,
        %get3A_240 = vector.shape_cast %get3A_239 : vector<1x16xf32> to vector<16xf32>
        %mul3A_241 = arith.mulf %get3A_240, %get3A_175 : vector<16xf32>
        %add3A_242 = arith.addf %add3A_236, %mul3A_241 : vector<16xf32>
        %gather3A_243 = vector.shape_cast %reshape3A : vector<16x1xi32> to vector<16xi32>
        %gather3A_244 = tpu.dynamic_gather %add3A_242[%gather3A_243] in [0] : vector<16xf32>, vector<16xi32> -> vector<16xf32>
        %add3A_245 = arith.addf %add3A_242, %gather3A_244 : vector<16xf32>
        %gather3A_246 = vector.shape_cast %reshape3A_6 : vector<16x1xi32> to vector<16xi32>
        %gather3A_247 = tpu.dynamic_gather %add3A_245[%gather3A_246] in [0] : vector<16xf32>, vector<16xi32> -> vector<16xf32>
        %add3A_248 = arith.addf %add3A_245, %gather3A_247 : vector<16xf32>
        %gather3A_249 = vector.shape_cast %reshape3A_10 : vector<16x1xi32> to vector<16xi32>
        %gather3A_250 = tpu.dynamic_gather %add3A_248[%gather3A_249] in [0] : vector<16xf32>, vector<16xi32> -> vector<16xf32>
        %add3A_251 = arith.addf %add3A_248, %gather3A_250 : vector<16xf32>
        %gather3A_252 = vector.shape_cast %reshape3A_14 : vector<16x1xi32> to vector<16xi32>
        %gather3A_253 = tpu.dynamic_gather %add3A_251[%gather3A_252] in [0] : vector<16xf32>, vector<16xi32> -> vector<16xf32>
        %add3A_254 = arith.addf %add3A_251, %gather3A_253 : vector<16xf32>
        %select_n3A = arith.select %eq3A_215, %add3A_254, %add3A_213 : vector<16xi1>, vector<16xf32>
        %eq3A_255 = arith.constant 2 : i32
        %eq3A_256 = vector.broadcast %eq3A_255 : i32 to vector<16xi32>
        %eq3A_257 = arith.cmpi eq, %iota3A, %eq3A_256 : vector<16xi32>
        %mul3A_258 = arith.constant 20 : i32
        %mul3A_259 = arith.muli %scan3A_160, %mul3A_258 : i32
        %add3A_260 = arith.constant 2 : i32
        %add3A_261 = arith.addi %mul3A_259, %add3A_260 : i32
        %get3A_262 = arith.index_cast %add3A_261 : i32 to index
        %get3A_263 = arith.constant 0 : index
        %get3A_264 = tpu.vector_load %arg10[%get3A_262, %get3A_263] {strides = array<i32>} : memref<640x64xf32, #tpu.memory_space<vmem>>, vector<1x16xf32>,
        %get3A_265 = vector.shape_cast %get3A_264 : vector<1x16xf32> to vector<16xf32>
        %mul3A_266 = arith.mulf %get3A_265, %get3A_163 : vector<16xf32>
        %get3A_267 = arith.index_cast %add3A_261 : i32 to index
        %get3A_268 = arith.constant 16 : index
        %get3A_269 = tpu.vector_load %arg10[%get3A_267, %get3A_268] {strides = array<i32>} : memref<640x64xf32, #tpu.memory_space<vmem>>, vector<1x16xf32>,
        %get3A_270 = vector.shape_cast %get3A_269 : vector<1x16xf32> to vector<16xf32>
        %mul3A_271 = arith.mulf %get3A_270, %get3A_167 : vector<16xf32>
        %add3A_272 = arith.addf %mul3A_266, %mul3A_271 : vector<16xf32>
        %get3A_273 = arith.index_cast %add3A_261 : i32 to index
        %get3A_274 = arith.constant 32 : index
        %get3A_275 = tpu.vector_load %arg10[%get3A_273, %get3A_274] {strides = array<i32>} : memref<640x64xf32, #tpu.memory_space<vmem>>, vector<1x16xf32>,
        %get3A_276 = vector.shape_cast %get3A_275 : vector<1x16xf32> to vector<16xf32>
        %mul3A_277 = arith.mulf %get3A_276, %get3A_171 : vector<16xf32>
        %add3A_278 = arith.addf %add3A_272, %mul3A_277 : vector<16xf32>
        %get3A_279 = arith.index_cast %add3A_261 : i32 to index
        %get3A_280 = arith.constant 48 : index
        %get3A_281 = tpu.vector_load %arg10[%get3A_279, %get3A_280] {strides = array<i32>} : memref<640x64xf32, #tpu.memory_space<vmem>>, vector<1x16xf32>,
        %get3A_282 = vector.shape_cast %get3A_281 : vector<1x16xf32> to vector<16xf32>
        %mul3A_283 = arith.mulf %get3A_282, %get3A_175 : vector<16xf32>
        %add3A_284 = arith.addf %add3A_278, %mul3A_283 : vector<16xf32>
        %gather3A_285 = vector.shape_cast %reshape3A : vector<16x1xi32> to vector<16xi32>
        %gather3A_286 = tpu.dynamic_gather %add3A_284[%gather3A_285] in [0] : vector<16xf32>, vector<16xi32> -> vector<16xf32>
        %add3A_287 = arith.addf %add3A_284, %gather3A_286 : vector<16xf32>
        %gather3A_288 = vector.shape_cast %reshape3A_6 : vector<16x1xi32> to vector<16xi32>
        %gather3A_289 = tpu.dynamic_gather %add3A_287[%gather3A_288] in [0] : vector<16xf32>, vector<16xi32> -> vector<16xf32>
        %add3A_290 = arith.addf %add3A_287, %gather3A_289 : vector<16xf32>
        %gather3A_291 = vector.shape_cast %reshape3A_10 : vector<16x1xi32> to vector<16xi32>
        %gather3A_292 = tpu.dynamic_gather %add3A_290[%gather3A_291] in [0] : vector<16xf32>, vector<16xi32> -> vector<16xf32>
        %add3A_293 = arith.addf %add3A_290, %gather3A_292 : vector<16xf32>
        %gather3A_294 = vector.shape_cast %reshape3A_14 : vector<16x1xi32> to vector<16xi32>
        %gather3A_295 = tpu.dynamic_gather %add3A_293[%gather3A_294] in [0] : vector<16xf32>, vector<16xi32> -> vector<16xf32>
        %add3A_296 = arith.addf %add3A_293, %gather3A_295 : vector<16xf32>
        %select_n3A_297 = arith.select %eq3A_257, %add3A_296, %select_n3A : vector<16xi1>, vector<16xf32>
        %eq3A_298 = arith.constant 3 : i32
        %eq3A_299 = vector.broadcast %eq3A_298 : i32 to vector<16xi32>
        %eq3A_300 = arith.cmpi eq, %iota3A, %eq3A_299 : vector<16xi32>
        %mul3A_301 = arith.constant 20 : i32
        %mul3A_302 = arith.muli %scan3A_160, %mul3A_301 : i32
        %add3A_303 = arith.constant 3 : i32
        %add3A_304 = arith.addi %mul3A_302, %add3A_303 : i32
        %get3A_305 = arith.index_cast %add3A_304 : i32 to index
        %get3A_306 = arith.constant 0 : index
        %get3A_307 = tpu.vector_load %arg10[%get3A_305, %get3A_306] {strides = array<i32>} : memref<640x64xf32, #tpu.memory_space<vmem>>, vector<1x16xf32>,
        %get3A_308 = vector.shape_cast %get3A_307 : vector<1x16xf32> to vector<16xf32>
        %mul3A_309 = arith.mulf %get3A_308, %get3A_163 : vector<16xf32>
        %get3A_310 = arith.index_cast %add3A_304 : i32 to index
        %get3A_311 = arith.constant 16 : index
        %get3A_312 = tpu.vector_load %arg10[%get3A_310, %get3A_311] {strides = array<i32>} : memref<640x64xf32, #tpu.memory_space<vmem>>, vector<1x16xf32>,
        %get3A_313 = vector.shape_cast %get3A_312 : vector<1x16xf32> to vector<16xf32>
        %mul3A_314 = arith.mulf %get3A_313, %get3A_167 : vector<16xf32>
        %add3A_315 = arith.addf %mul3A_309, %mul3A_314 : vector<16xf32>
        %get3A_316 = arith.index_cast %add3A_304 : i32 to index
        %get3A_317 = arith.constant 32 : index
        %get3A_318 = tpu.vector_load %arg10[%get3A_316, %get3A_317] {strides = array<i32>} : memref<640x64xf32, #tpu.memory_space<vmem>>, vector<1x16xf32>,
        %get3A_319 = vector.shape_cast %get3A_318 : vector<1x16xf32> to vector<16xf32>
        %mul3A_320 = arith.mulf %get3A_319, %get3A_171 : vector<16xf32>
        %add3A_321 = arith.addf %add3A_315, %mul3A_320 : vector<16xf32>
        %get3A_322 = arith.index_cast %add3A_304 : i32 to index
        %get3A_323 = arith.constant 48 : index
        %get3A_324 = tpu.vector_load %arg10[%get3A_322, %get3A_323] {strides = array<i32>} : memref<640x64xf32, #tpu.memory_space<vmem>>, vector<1x16xf32>,
        %get3A_325 = vector.shape_cast %get3A_324 : vector<1x16xf32> to vector<16xf32>
        %mul3A_326 = arith.mulf %get3A_325, %get3A_175 : vector<16xf32>
        %add3A_327 = arith.addf %add3A_321, %mul3A_326 : vector<16xf32>
        %gather3A_328 = vector.shape_cast %reshape3A : vector<16x1xi32> to vector<16xi32>
        %gather3A_329 = tpu.dynamic_gather %add3A_327[%gather3A_328] in [0] : vector<16xf32>, vector<16xi32> -> vector<16xf32>
        %add3A_330 = arith.addf %add3A_327, %gather3A_329 : vector<16xf32>
        %gather3A_331 = vector.shape_cast %reshape3A_6 : vector<16x1xi32> to vector<16xi32>
        %gather3A_332 = tpu.dynamic_gather %add3A_330[%gather3A_331] in [0] : vector<16xf32>, vector<16xi32> -> vector<16xf32>
        %add3A_333 = arith.addf %add3A_330, %gather3A_332 : vector<16xf32>
        %gather3A_334 = vector.shape_cast %reshape3A_10 : vector<16x1xi32> to vector<16xi32>
        %gather3A_335 = tpu.dynamic_gather %add3A_333[%gather3A_334] in [0] : vector<16xf32>, vector<16xi32> -> vector<16xf32>
        %add3A_336 = arith.addf %add3A_333, %gather3A_335 : vector<16xf32>
        %gather3A_337 = vector.shape_cast %reshape3A_14 : vector<16x1xi32> to vector<16xi32>
        %gather3A_338 = tpu.dynamic_gather %add3A_336[%gather3A_337] in [0] : vector<16xf32>, vector<16xi32> -> vector<16xf32>
        %add3A_339 = arith.addf %add3A_336, %gather3A_338 : vector<16xf32>
        %select_n3A_340 = arith.select %eq3A_300, %add3A_339, %select_n3A_297 : vector<16xi1>, vector<16xf32>
        %eq3A_341 = arith.constant 4 : i32
        %eq3A_342 = vector.broadcast %eq3A_341 : i32 to vector<16xi32>
        %eq3A_343 = arith.cmpi eq, %iota3A, %eq3A_342 : vector<16xi32>
        %mul3A_344 = arith.constant 20 : i32
        %mul3A_345 = arith.muli %scan3A_160, %mul3A_344 : i32
        %add3A_346 = arith.constant 4 : i32
        %add3A_347 = arith.addi %mul3A_345, %add3A_346 : i32
        %get3A_348 = arith.index_cast %add3A_347 : i32 to index
        %get3A_349 = arith.constant 0 : index
        %get3A_350 = tpu.vector_load %arg10[%get3A_348, %get3A_349] {strides = array<i32>} : memref<640x64xf32, #tpu.memory_space<vmem>>, vector<1x16xf32>,
        %get3A_351 = vector.shape_cast %get3A_350 : vector<1x16xf32> to vector<16xf32>
        %mul3A_352 = arith.mulf %get3A_351, %get3A_163 : vector<16xf32>
        %get3A_353 = arith.index_cast %add3A_347 : i32 to index
        %get3A_354 = arith.constant 16 : index
        %get3A_355 = tpu.vector_load %arg10[%get3A_353, %get3A_354] {strides = array<i32>} : memref<640x64xf32, #tpu.memory_space<vmem>>, vector<1x16xf32>,
        %get3A_356 = vector.shape_cast %get3A_355 : vector<1x16xf32> to vector<16xf32>
        %mul3A_357 = arith.mulf %get3A_356, %get3A_167 : vector<16xf32>
        %add3A_358 = arith.addf %mul3A_352, %mul3A_357 : vector<16xf32>
        %get3A_359 = arith.index_cast %add3A_347 : i32 to index
        %get3A_360 = arith.constant 32 : index
        %get3A_361 = tpu.vector_load %arg10[%get3A_359, %get3A_360] {strides = array<i32>} : memref<640x64xf32, #tpu.memory_space<vmem>>, vector<1x16xf32>,
        %get3A_362 = vector.shape_cast %get3A_361 : vector<1x16xf32> to vector<16xf32>
        %mul3A_363 = arith.mulf %get3A_362, %get3A_171 : vector<16xf32>
        %add3A_364 = arith.addf %add3A_358, %mul3A_363 : vector<16xf32>
        %get3A_365 = arith.index_cast %add3A_347 : i32 to index
        %get3A_366 = arith.constant 48 : index
        %get3A_367 = tpu.vector_load %arg10[%get3A_365, %get3A_366] {strides = array<i32>} : memref<640x64xf32, #tpu.memory_space<vmem>>, vector<1x16xf32>,
        %get3A_368 = vector.shape_cast %get3A_367 : vector<1x16xf32> to vector<16xf32>
        %mul3A_369 = arith.mulf %get3A_368, %get3A_175 : vector<16xf32>
        %add3A_370 = arith.addf %add3A_364, %mul3A_369 : vector<16xf32>
        %gather3A_371 = vector.shape_cast %reshape3A : vector<16x1xi32> to vector<16xi32>
        %gather3A_372 = tpu.dynamic_gather %add3A_370[%gather3A_371] in [0] : vector<16xf32>, vector<16xi32> -> vector<16xf32>
        %add3A_373 = arith.addf %add3A_370, %gather3A_372 : vector<16xf32>
        %gather3A_374 = vector.shape_cast %reshape3A_6 : vector<16x1xi32> to vector<16xi32>
        %gather3A_375 = tpu.dynamic_gather %add3A_373[%gather3A_374] in [0] : vector<16xf32>, vector<16xi32> -> vector<16xf32>
        %add3A_376 = arith.addf %add3A_373, %gather3A_375 : vector<16xf32>
        %gather3A_377 = vector.shape_cast %reshape3A_10 : vector<16x1xi32> to vector<16xi32>
        %gather3A_378 = tpu.dynamic_gather %add3A_376[%gather3A_377] in [0] : vector<16xf32>, vector<16xi32> -> vector<16xf32>
        %add3A_379 = arith.addf %add3A_376, %gather3A_378 : vector<16xf32>
        %gather3A_380 = vector.shape_cast %reshape3A_14 : vector<16x1xi32> to vector<16xi32>
        %gather3A_381 = tpu.dynamic_gather %add3A_379[%gather3A_380] in [0] : vector<16xf32>, vector<16xi32> -> vector<16xf32>
        %add3A_382 = arith.addf %add3A_379, %gather3A_381 : vector<16xf32>
        %select_n3A_383 = arith.select %eq3A_343, %add3A_382, %select_n3A_340 : vector<16xi1>, vector<16xf32>
        %eq3A_384 = arith.constant 5 : i32
        %eq3A_385 = vector.broadcast %eq3A_384 : i32 to vector<16xi32>
        %eq3A_386 = arith.cmpi eq, %iota3A, %eq3A_385 : vector<16xi32>
        %mul3A_387 = arith.constant 20 : i32
        %mul3A_388 = arith.muli %scan3A_160, %mul3A_387 : i32
        %add3A_389 = arith.constant 5 : i32
        %add3A_390 = arith.addi %mul3A_388, %add3A_389 : i32
        %get3A_391 = arith.index_cast %add3A_390 : i32 to index
        %get3A_392 = arith.constant 0 : index
        %get3A_393 = tpu.vector_load %arg10[%get3A_391, %get3A_392] {strides = array<i32>} : memref<640x64xf32, #tpu.memory_space<vmem>>, vector<1x16xf32>,
        %get3A_394 = vector.shape_cast %get3A_393 : vector<1x16xf32> to vector<16xf32>
        %mul3A_395 = arith.mulf %get3A_394, %get3A_163 : vector<16xf32>
        %get3A_396 = arith.index_cast %add3A_390 : i32 to index
        %get3A_397 = arith.constant 16 : index
        %get3A_398 = tpu.vector_load %arg10[%get3A_396, %get3A_397] {strides = array<i32>} : memref<640x64xf32, #tpu.memory_space<vmem>>, vector<1x16xf32>,
        %get3A_399 = vector.shape_cast %get3A_398 : vector<1x16xf32> to vector<16xf32>
        %mul3A_400 = arith.mulf %get3A_399, %get3A_167 : vector<16xf32>
        %add3A_401 = arith.addf %mul3A_395, %mul3A_400 : vector<16xf32>
        %get3A_402 = arith.index_cast %add3A_390 : i32 to index
        %get3A_403 = arith.constant 32 : index
        %get3A_404 = tpu.vector_load %arg10[%get3A_402, %get3A_403] {strides = array<i32>} : memref<640x64xf32, #tpu.memory_space<vmem>>, vector<1x16xf32>,
        %get3A_405 = vector.shape_cast %get3A_404 : vector<1x16xf32> to vector<16xf32>
        %mul3A_406 = arith.mulf %get3A_405, %get3A_171 : vector<16xf32>
        %add3A_407 = arith.addf %add3A_401, %mul3A_406 : vector<16xf32>
        %get3A_408 = arith.index_cast %add3A_390 : i32 to index
        %get3A_409 = arith.constant 48 : index
        %get3A_410 = tpu.vector_load %arg10[%get3A_408, %get3A_409] {strides = array<i32>} : memref<640x64xf32, #tpu.memory_space<vmem>>, vector<1x16xf32>,
        %get3A_411 = vector.shape_cast %get3A_410 : vector<1x16xf32> to vector<16xf32>
        %mul3A_412 = arith.mulf %get3A_411, %get3A_175 : vector<16xf32>
        %add3A_413 = arith.addf %add3A_407, %mul3A_412 : vector<16xf32>
        %gather3A_414 = vector.shape_cast %reshape3A : vector<16x1xi32> to vector<16xi32>
        %gather3A_415 = tpu.dynamic_gather %add3A_413[%gather3A_414] in [0] : vector<16xf32>, vector<16xi32> -> vector<16xf32>
        %add3A_416 = arith.addf %add3A_413, %gather3A_415 : vector<16xf32>
        %gather3A_417 = vector.shape_cast %reshape3A_6 : vector<16x1xi32> to vector<16xi32>
        %gather3A_418 = tpu.dynamic_gather %add3A_416[%gather3A_417] in [0] : vector<16xf32>, vector<16xi32> -> vector<16xf32>
        %add3A_419 = arith.addf %add3A_416, %gather3A_418 : vector<16xf32>
        %gather3A_420 = vector.shape_cast %reshape3A_10 : vector<16x1xi32> to vector<16xi32>
        %gather3A_421 = tpu.dynamic_gather %add3A_419[%gather3A_420] in [0] : vector<16xf32>, vector<16xi32> -> vector<16xf32>
        %add3A_422 = arith.addf %add3A_419, %gather3A_421 : vector<16xf32>
        %gather3A_423 = vector.shape_cast %reshape3A_14 : vector<16x1xi32> to vector<16xi32>
        %gather3A_424 = tpu.dynamic_gather %add3A_422[%gather3A_423] in [0] : vector<16xf32>, vector<16xi32> -> vector<16xf32>
        %add3A_425 = arith.addf %add3A_422, %gather3A_424 : vector<16xf32>
        %select_n3A_426 = arith.select %eq3A_386, %add3A_425, %select_n3A_383 : vector<16xi1>, vector<16xf32>
        %eq3A_427 = arith.constant 6 : i32
        %eq3A_428 = vector.broadcast %eq3A_427 : i32 to vector<16xi32>
        %eq3A_429 = arith.cmpi eq, %iota3A, %eq3A_428 : vector<16xi32>
        %mul3A_430 = arith.constant 20 : i32
        %mul3A_431 = arith.muli %scan3A_160, %mul3A_430 : i32
        %add3A_432 = arith.constant 6 : i32
        %add3A_433 = arith.addi %mul3A_431, %add3A_432 : i32
        %get3A_434 = arith.index_cast %add3A_433 : i32 to index
        %get3A_435 = arith.constant 0 : index
        %get3A_436 = tpu.vector_load %arg10[%get3A_434, %get3A_435] {strides = array<i32>} : memref<640x64xf32, #tpu.memory_space<vmem>>, vector<1x16xf32>,
        %get3A_437 = vector.shape_cast %get3A_436 : vector<1x16xf32> to vector<16xf32>
        %mul3A_438 = arith.mulf %get3A_437, %get3A_163 : vector<16xf32>
        %get3A_439 = arith.index_cast %add3A_433 : i32 to index
        %get3A_440 = arith.constant 16 : index
        %get3A_441 = tpu.vector_load %arg10[%get3A_439, %get3A_440] {strides = array<i32>} : memref<640x64xf32, #tpu.memory_space<vmem>>, vector<1x16xf32>,
        %get3A_442 = vector.shape_cast %get3A_441 : vector<1x16xf32> to vector<16xf32>
        %mul3A_443 = arith.mulf %get3A_442, %get3A_167 : vector<16xf32>
        %add3A_444 = arith.addf %mul3A_438, %mul3A_443 : vector<16xf32>
        %get3A_445 = arith.index_cast %add3A_433 : i32 to index
        %get3A_446 = arith.constant 32 : index
        %get3A_447 = tpu.vector_load %arg10[%get3A_445, %get3A_446] {strides = array<i32>} : memref<640x64xf32, #tpu.memory_space<vmem>>, vector<1x16xf32>,
        %get3A_448 = vector.shape_cast %get3A_447 : vector<1x16xf32> to vector<16xf32>
        %mul3A_449 = arith.mulf %get3A_448, %get3A_171 : vector<16xf32>
        %add3A_450 = arith.addf %add3A_444, %mul3A_449 : vector<16xf32>
        %get3A_451 = arith.index_cast %add3A_433 : i32 to index
        %get3A_452 = arith.constant 48 : index
        %get3A_453 = tpu.vector_load %arg10[%get3A_451, %get3A_452] {strides = array<i32>} : memref<640x64xf32, #tpu.memory_space<vmem>>, vector<1x16xf32>,
        %get3A_454 = vector.shape_cast %get3A_453 : vector<1x16xf32> to vector<16xf32>
        %mul3A_455 = arith.mulf %get3A_454, %get3A_175 : vector<16xf32>
        %add3A_456 = arith.addf %add3A_450, %mul3A_455 : vector<16xf32>
        %gather3A_457 = vector.shape_cast %reshape3A : vector<16x1xi32> to vector<16xi32>
        %gather3A_458 = tpu.dynamic_gather %add3A_456[%gather3A_457] in [0] : vector<16xf32>, vector<16xi32> -> vector<16xf32>
        %add3A_459 = arith.addf %add3A_456, %gather3A_458 : vector<16xf32>
        %gather3A_460 = vector.shape_cast %reshape3A_6 : vector<16x1xi32> to vector<16xi32>
        %gather3A_461 = tpu.dynamic_gather %add3A_459[%gather3A_460] in [0] : vector<16xf32>, vector<16xi32> -> vector<16xf32>
        %add3A_462 = arith.addf %add3A_459, %gather3A_461 : vector<16xf32>
        %gather3A_463 = vector.shape_cast %reshape3A_10 : vector<16x1xi32> to vector<16xi32>
        %gather3A_464 = tpu.dynamic_gather %add3A_462[%gather3A_463] in [0] : vector<16xf32>, vector<16xi32> -> vector<16xf32>
        %add3A_465 = arith.addf %add3A_462, %gather3A_464 : vector<16xf32>
        %gather3A_466 = vector.shape_cast %reshape3A_14 : vector<16x1xi32> to vector<16xi32>
        %gather3A_467 = tpu.dynamic_gather %add3A_465[%gather3A_466] in [0] : vector<16xf32>, vector<16xi32> -> vector<16xf32>
        %add3A_468 = arith.addf %add3A_465, %gather3A_467 : vector<16xf32>
        %select_n3A_469 = arith.select %eq3A_429, %add3A_468, %select_n3A_426 : vector<16xi1>, vector<16xf32>
        %eq3A_470 = arith.constant 7 : i32
        %eq3A_471 = vector.broadcast %eq3A_470 : i32 to vector<16xi32>
        %eq3A_472 = arith.cmpi eq, %iota3A, %eq3A_471 : vector<16xi32>
        %mul3A_473 = arith.constant 20 : i32
        %mul3A_474 = arith.muli %scan3A_160, %mul3A_473 : i32
        %add3A_475 = arith.constant 7 : i32
        %add3A_476 = arith.addi %mul3A_474, %add3A_475 : i32
        %get3A_477 = arith.index_cast %add3A_476 : i32 to index
        %get3A_478 = arith.constant 0 : index
        %get3A_479 = tpu.vector_load %arg10[%get3A_477, %get3A_478] {strides = array<i32>} : memref<640x64xf32, #tpu.memory_space<vmem>>, vector<1x16xf32>,
        %get3A_480 = vector.shape_cast %get3A_479 : vector<1x16xf32> to vector<16xf32>
        %mul3A_481 = arith.mulf %get3A_480, %get3A_163 : vector<16xf32>
        %get3A_482 = arith.index_cast %add3A_476 : i32 to index
        %get3A_483 = arith.constant 16 : index
        %get3A_484 = tpu.vector_load %arg10[%get3A_482, %get3A_483] {strides = array<i32>} : memref<640x64xf32, #tpu.memory_space<vmem>>, vector<1x16xf32>,
        %get3A_485 = vector.shape_cast %get3A_484 : vector<1x16xf32> to vector<16xf32>
        %mul3A_486 = arith.mulf %get3A_485, %get3A_167 : vector<16xf32>
        %add3A_487 = arith.addf %mul3A_481, %mul3A_486 : vector<16xf32>
        %get3A_488 = arith.index_cast %add3A_476 : i32 to index
        %get3A_489 = arith.constant 32 : index
        %get3A_490 = tpu.vector_load %arg10[%get3A_488, %get3A_489] {strides = array<i32>} : memref<640x64xf32, #tpu.memory_space<vmem>>, vector<1x16xf32>,
        %get3A_491 = vector.shape_cast %get3A_490 : vector<1x16xf32> to vector<16xf32>
        %mul3A_492 = arith.mulf %get3A_491, %get3A_171 : vector<16xf32>
        %add3A_493 = arith.addf %add3A_487, %mul3A_492 : vector<16xf32>
        %get3A_494 = arith.index_cast %add3A_476 : i32 to index
        %get3A_495 = arith.constant 48 : index
        %get3A_496 = tpu.vector_load %arg10[%get3A_494, %get3A_495] {strides = array<i32>} : memref<640x64xf32, #tpu.memory_space<vmem>>, vector<1x16xf32>,
        %get3A_497 = vector.shape_cast %get3A_496 : vector<1x16xf32> to vector<16xf32>
        %mul3A_498 = arith.mulf %get3A_497, %get3A_175 : vector<16xf32>
        %add3A_499 = arith.addf %add3A_493, %mul3A_498 : vector<16xf32>
        %gather3A_500 = vector.shape_cast %reshape3A : vector<16x1xi32> to vector<16xi32>
        %gather3A_501 = tpu.dynamic_gather %add3A_499[%gather3A_500] in [0] : vector<16xf32>, vector<16xi32> -> vector<16xf32>
        %add3A_502 = arith.addf %add3A_499, %gather3A_501 : vector<16xf32>
        %gather3A_503 = vector.shape_cast %reshape3A_6 : vector<16x1xi32> to vector<16xi32>
        %gather3A_504 = tpu.dynamic_gather %add3A_502[%gather3A_503] in [0] : vector<16xf32>, vector<16xi32> -> vector<16xf32>
        %add3A_505 = arith.addf %add3A_502, %gather3A_504 : vector<16xf32>
        %gather3A_506 = vector.shape_cast %reshape3A_10 : vector<16x1xi32> to vector<16xi32>
        %gather3A_507 = tpu.dynamic_gather %add3A_505[%gather3A_506] in [0] : vector<16xf32>, vector<16xi32> -> vector<16xf32>
        %add3A_508 = arith.addf %add3A_505, %gather3A_507 : vector<16xf32>
        %gather3A_509 = vector.shape_cast %reshape3A_14 : vector<16x1xi32> to vector<16xi32>
        %gather3A_510 = tpu.dynamic_gather %add3A_508[%gather3A_509] in [0] : vector<16xf32>, vector<16xi32> -> vector<16xf32>
        %add3A_511 = arith.addf %add3A_508, %gather3A_510 : vector<16xf32>
        %select_n3A_512 = arith.select %eq3A_472, %add3A_511, %select_n3A_469 : vector<16xi1>, vector<16xf32>
        %eq3A_513 = arith.constant 8 : i32
        %eq3A_514 = vector.broadcast %eq3A_513 : i32 to vector<16xi32>
        %eq3A_515 = arith.cmpi eq, %iota3A, %eq3A_514 : vector<16xi32>
        %mul3A_516 = arith.constant 20 : i32
        %mul3A_517 = arith.muli %scan3A_160, %mul3A_516 : i32
        %add3A_518 = arith.constant 8 : i32
        %add3A_519 = arith.addi %mul3A_517, %add3A_518 : i32
        %get3A_520 = arith.index_cast %add3A_519 : i32 to index
        %get3A_521 = arith.constant 0 : index
        %get3A_522 = tpu.vector_load %arg10[%get3A_520, %get3A_521] {strides = array<i32>} : memref<640x64xf32, #tpu.memory_space<vmem>>, vector<1x16xf32>,
        %get3A_523 = vector.shape_cast %get3A_522 : vector<1x16xf32> to vector<16xf32>
        %mul3A_524 = arith.mulf %get3A_523, %get3A_163 : vector<16xf32>
        %get3A_525 = arith.index_cast %add3A_519 : i32 to index
        %get3A_526 = arith.constant 16 : index
        %get3A_527 = tpu.vector_load %arg10[%get3A_525, %get3A_526] {strides = array<i32>} : memref<640x64xf32, #tpu.memory_space<vmem>>, vector<1x16xf32>,
        %get3A_528 = vector.shape_cast %get3A_527 : vector<1x16xf32> to vector<16xf32>
        %mul3A_529 = arith.mulf %get3A_528, %get3A_167 : vector<16xf32>
        %add3A_530 = arith.addf %mul3A_524, %mul3A_529 : vector<16xf32>
        %get3A_531 = arith.index_cast %add3A_519 : i32 to index
        %get3A_532 = arith.constant 32 : index
        %get3A_533 = tpu.vector_load %arg10[%get3A_531, %get3A_532] {strides = array<i32>} : memref<640x64xf32, #tpu.memory_space<vmem>>, vector<1x16xf32>,
        %get3A_534 = vector.shape_cast %get3A_533 : vector<1x16xf32> to vector<16xf32>
        %mul3A_535 = arith.mulf %get3A_534, %get3A_171 : vector<16xf32>
        %add3A_536 = arith.addf %add3A_530, %mul3A_535 : vector<16xf32>
        %get3A_537 = arith.index_cast %add3A_519 : i32 to index
        %get3A_538 = arith.constant 48 : index
        %get3A_539 = tpu.vector_load %arg10[%get3A_537, %get3A_538] {strides = array<i32>} : memref<640x64xf32, #tpu.memory_space<vmem>>, vector<1x16xf32>,
        %get3A_540 = vector.shape_cast %get3A_539 : vector<1x16xf32> to vector<16xf32>
        %mul3A_541 = arith.mulf %get3A_540, %get3A_175 : vector<16xf32>
        %add3A_542 = arith.addf %add3A_536, %mul3A_541 : vector<16xf32>
        %gather3A_543 = vector.shape_cast %reshape3A : vector<16x1xi32> to vector<16xi32>
        %gather3A_544 = tpu.dynamic_gather %add3A_542[%gather3A_543] in [0] : vector<16xf32>, vector<16xi32> -> vector<16xf32>
        %add3A_545 = arith.addf %add3A_542, %gather3A_544 : vector<16xf32>
        %gather3A_546 = vector.shape_cast %reshape3A_6 : vector<16x1xi32> to vector<16xi32>
        %gather3A_547 = tpu.dynamic_gather %add3A_545[%gather3A_546] in [0] : vector<16xf32>, vector<16xi32> -> vector<16xf32>
        %add3A_548 = arith.addf %add3A_545, %gather3A_547 : vector<16xf32>
        %gather3A_549 = vector.shape_cast %reshape3A_10 : vector<16x1xi32> to vector<16xi32>
        %gather3A_550 = tpu.dynamic_gather %add3A_548[%gather3A_549] in [0] : vector<16xf32>, vector<16xi32> -> vector<16xf32>
        %add3A_551 = arith.addf %add3A_548, %gather3A_550 : vector<16xf32>
        %gather3A_552 = vector.shape_cast %reshape3A_14 : vector<16x1xi32> to vector<16xi32>
        %gather3A_553 = tpu.dynamic_gather %add3A_551[%gather3A_552] in [0] : vector<16xf32>, vector<16xi32> -> vector<16xf32>
        %add3A_554 = arith.addf %add3A_551, %gather3A_553 : vector<16xf32>
        %select_n3A_555 = arith.select %eq3A_515, %add3A_554, %select_n3A_512 : vector<16xi1>, vector<16xf32>
        %eq3A_556 = arith.constant 9 : i32
        %eq3A_557 = vector.broadcast %eq3A_556 : i32 to vector<16xi32>
        %eq3A_558 = arith.cmpi eq, %iota3A, %eq3A_557 : vector<16xi32>
        %mul3A_559 = arith.constant 20 : i32
        %mul3A_560 = arith.muli %scan3A_160, %mul3A_559 : i32
        %add3A_561 = arith.constant 9 : i32
        %add3A_562 = arith.addi %mul3A_560, %add3A_561 : i32
        %get3A_563 = arith.index_cast %add3A_562 : i32 to index
        %get3A_564 = arith.constant 0 : index
        %get3A_565 = tpu.vector_load %arg10[%get3A_563, %get3A_564] {strides = array<i32>} : memref<640x64xf32, #tpu.memory_space<vmem>>, vector<1x16xf32>,
        %get3A_566 = vector.shape_cast %get3A_565 : vector<1x16xf32> to vector<16xf32>
        %mul3A_567 = arith.mulf %get3A_566, %get3A_163 : vector<16xf32>
        %get3A_568 = arith.index_cast %add3A_562 : i32 to index
        %get3A_569 = arith.constant 16 : index
        %get3A_570 = tpu.vector_load %arg10[%get3A_568, %get3A_569] {strides = array<i32>} : memref<640x64xf32, #tpu.memory_space<vmem>>, vector<1x16xf32>,
        %get3A_571 = vector.shape_cast %get3A_570 : vector<1x16xf32> to vector<16xf32>
        %mul3A_572 = arith.mulf %get3A_571, %get3A_167 : vector<16xf32>
        %add3A_573 = arith.addf %mul3A_567, %mul3A_572 : vector<16xf32>
        %get3A_574 = arith.index_cast %add3A_562 : i32 to index
        %get3A_575 = arith.constant 32 : index
        %get3A_576 = tpu.vector_load %arg10[%get3A_574, %get3A_575] {strides = array<i32>} : memref<640x64xf32, #tpu.memory_space<vmem>>, vector<1x16xf32>,
        %get3A_577 = vector.shape_cast %get3A_576 : vector<1x16xf32> to vector<16xf32>
        %mul3A_578 = arith.mulf %get3A_577, %get3A_171 : vector<16xf32>
        %add3A_579 = arith.addf %add3A_573, %mul3A_578 : vector<16xf32>
        %get3A_580 = arith.index_cast %add3A_562 : i32 to index
        %get3A_581 = arith.constant 48 : index
        %get3A_582 = tpu.vector_load %arg10[%get3A_580, %get3A_581] {strides = array<i32>} : memref<640x64xf32, #tpu.memory_space<vmem>>, vector<1x16xf32>,
        %get3A_583 = vector.shape_cast %get3A_582 : vector<1x16xf32> to vector<16xf32>
        %mul3A_584 = arith.mulf %get3A_583, %get3A_175 : vector<16xf32>
        %add3A_585 = arith.addf %add3A_579, %mul3A_584 : vector<16xf32>
        %gather3A_586 = vector.shape_cast %reshape3A : vector<16x1xi32> to vector<16xi32>
        %gather3A_587 = tpu.dynamic_gather %add3A_585[%gather3A_586] in [0] : vector<16xf32>, vector<16xi32> -> vector<16xf32>
        %add3A_588 = arith.addf %add3A_585, %gather3A_587 : vector<16xf32>
        %gather3A_589 = vector.shape_cast %reshape3A_6 : vector<16x1xi32> to vector<16xi32>
        %gather3A_590 = tpu.dynamic_gather %add3A_588[%gather3A_589] in [0] : vector<16xf32>, vector<16xi32> -> vector<16xf32>
        %add3A_591 = arith.addf %add3A_588, %gather3A_590 : vector<16xf32>
        %gather3A_592 = vector.shape_cast %reshape3A_10 : vector<16x1xi32> to vector<16xi32>
        %gather3A_593 = tpu.dynamic_gather %add3A_591[%gather3A_592] in [0] : vector<16xf32>, vector<16xi32> -> vector<16xf32>
        %add3A_594 = arith.addf %add3A_591, %gather3A_593 : vector<16xf32>
        %gather3A_595 = vector.shape_cast %reshape3A_14 : vector<16x1xi32> to vector<16xi32>
        %gather3A_596 = tpu.dynamic_gather %add3A_594[%gather3A_595] in [0] : vector<16xf32>, vector<16xi32> -> vector<16xf32>
        %add3A_597 = arith.addf %add3A_594, %gather3A_596 : vector<16xf32>
        %select_n3A_598 = arith.select %eq3A_558, %add3A_597, %select_n3A_555 : vector<16xi1>, vector<16xf32>
        %eq3A_599 = arith.constant 10 : i32
        %eq3A_600 = vector.broadcast %eq3A_599 : i32 to vector<16xi32>
        %eq3A_601 = arith.cmpi eq, %iota3A, %eq3A_600 : vector<16xi32>
        %mul3A_602 = arith.constant 20 : i32
        %mul3A_603 = arith.muli %scan3A_160, %mul3A_602 : i32
        %add3A_604 = arith.constant 10 : i32
        %add3A_605 = arith.addi %mul3A_603, %add3A_604 : i32
        %get3A_606 = arith.index_cast %add3A_605 : i32 to index
        %get3A_607 = arith.constant 0 : index
        %get3A_608 = tpu.vector_load %arg10[%get3A_606, %get3A_607] {strides = array<i32>} : memref<640x64xf32, #tpu.memory_space<vmem>>, vector<1x16xf32>,
        %get3A_609 = vector.shape_cast %get3A_608 : vector<1x16xf32> to vector<16xf32>
        %mul3A_610 = arith.mulf %get3A_609, %get3A_163 : vector<16xf32>
        %get3A_611 = arith.index_cast %add3A_605 : i32 to index
        %get3A_612 = arith.constant 16 : index
        %get3A_613 = tpu.vector_load %arg10[%get3A_611, %get3A_612] {strides = array<i32>} : memref<640x64xf32, #tpu.memory_space<vmem>>, vector<1x16xf32>,
        %get3A_614 = vector.shape_cast %get3A_613 : vector<1x16xf32> to vector<16xf32>
        %mul3A_615 = arith.mulf %get3A_614, %get3A_167 : vector<16xf32>
        %add3A_616 = arith.addf %mul3A_610, %mul3A_615 : vector<16xf32>
        %get3A_617 = arith.index_cast %add3A_605 : i32 to index
        %get3A_618 = arith.constant 32 : index
        %get3A_619 = tpu.vector_load %arg10[%get3A_617, %get3A_618] {strides = array<i32>} : memref<640x64xf32, #tpu.memory_space<vmem>>, vector<1x16xf32>,
        %get3A_620 = vector.shape_cast %get3A_619 : vector<1x16xf32> to vector<16xf32>
        %mul3A_621 = arith.mulf %get3A_620, %get3A_171 : vector<16xf32>
        %add3A_622 = arith.addf %add3A_616, %mul3A_621 : vector<16xf32>
        %get3A_623 = arith.index_cast %add3A_605 : i32 to index
        %get3A_624 = arith.constant 48 : index
        %get3A_625 = tpu.vector_load %arg10[%get3A_623, %get3A_624] {strides = array<i32>} : memref<640x64xf32, #tpu.memory_space<vmem>>, vector<1x16xf32>,
        %get3A_626 = vector.shape_cast %get3A_625 : vector<1x16xf32> to vector<16xf32>
        %mul3A_627 = arith.mulf %get3A_626, %get3A_175 : vector<16xf32>
        %add3A_628 = arith.addf %add3A_622, %mul3A_627 : vector<16xf32>
        %gather3A_629 = vector.shape_cast %reshape3A : vector<16x1xi32> to vector<16xi32>
        %gather3A_630 = tpu.dynamic_gather %add3A_628[%gather3A_629] in [0] : vector<16xf32>, vector<16xi32> -> vector<16xf32>
        %add3A_631 = arith.addf %add3A_628, %gather3A_630 : vector<16xf32>
        %gather3A_632 = vector.shape_cast %reshape3A_6 : vector<16x1xi32> to vector<16xi32>
        %gather3A_633 = tpu.dynamic_gather %add3A_631[%gather3A_632] in [0] : vector<16xf32>, vector<16xi32> -> vector<16xf32>
        %add3A_634 = arith.addf %add3A_631, %gather3A_633 : vector<16xf32>
        %gather3A_635 = vector.shape_cast %reshape3A_10 : vector<16x1xi32> to vector<16xi32>
        %gather3A_636 = tpu.dynamic_gather %add3A_634[%gather3A_635] in [0] : vector<16xf32>, vector<16xi32> -> vector<16xf32>
        %add3A_637 = arith.addf %add3A_634, %gather3A_636 : vector<16xf32>
        %gather3A_638 = vector.shape_cast %reshape3A_14 : vector<16x1xi32> to vector<16xi32>
        %gather3A_639 = tpu.dynamic_gather %add3A_637[%gather3A_638] in [0] : vector<16xf32>, vector<16xi32> -> vector<16xf32>
        %add3A_640 = arith.addf %add3A_637, %gather3A_639 : vector<16xf32>
        %select_n3A_641 = arith.select %eq3A_601, %add3A_640, %select_n3A_598 : vector<16xi1>, vector<16xf32>
        %eq3A_642 = arith.constant 11 : i32
        %eq3A_643 = vector.broadcast %eq3A_642 : i32 to vector<16xi32>
        %eq3A_644 = arith.cmpi eq, %iota3A, %eq3A_643 : vector<16xi32>
        %mul3A_645 = arith.constant 20 : i32
        %mul3A_646 = arith.muli %scan3A_160, %mul3A_645 : i32
        %add3A_647 = arith.constant 11 : i32
        %add3A_648 = arith.addi %mul3A_646, %add3A_647 : i32
        %get3A_649 = arith.index_cast %add3A_648 : i32 to index
        %get3A_650 = arith.constant 0 : index
        %get3A_651 = tpu.vector_load %arg10[%get3A_649, %get3A_650] {strides = array<i32>} : memref<640x64xf32, #tpu.memory_space<vmem>>, vector<1x16xf32>,
        %get3A_652 = vector.shape_cast %get3A_651 : vector<1x16xf32> to vector<16xf32>
        %mul3A_653 = arith.mulf %get3A_652, %get3A_163 : vector<16xf32>
        %get3A_654 = arith.index_cast %add3A_648 : i32 to index
        %get3A_655 = arith.constant 16 : index
        %get3A_656 = tpu.vector_load %arg10[%get3A_654, %get3A_655] {strides = array<i32>} : memref<640x64xf32, #tpu.memory_space<vmem>>, vector<1x16xf32>,
        %get3A_657 = vector.shape_cast %get3A_656 : vector<1x16xf32> to vector<16xf32>
        %mul3A_658 = arith.mulf %get3A_657, %get3A_167 : vector<16xf32>
        %add3A_659 = arith.addf %mul3A_653, %mul3A_658 : vector<16xf32>
        %get3A_660 = arith.index_cast %add3A_648 : i32 to index
        %get3A_661 = arith.constant 32 : index
        %get3A_662 = tpu.vector_load %arg10[%get3A_660, %get3A_661] {strides = array<i32>} : memref<640x64xf32, #tpu.memory_space<vmem>>, vector<1x16xf32>,
        %get3A_663 = vector.shape_cast %get3A_662 : vector<1x16xf32> to vector<16xf32>
        %mul3A_664 = arith.mulf %get3A_663, %get3A_171 : vector<16xf32>
        %add3A_665 = arith.addf %add3A_659, %mul3A_664 : vector<16xf32>
        %get3A_666 = arith.index_cast %add3A_648 : i32 to index
        %get3A_667 = arith.constant 48 : index
        %get3A_668 = tpu.vector_load %arg10[%get3A_666, %get3A_667] {strides = array<i32>} : memref<640x64xf32, #tpu.memory_space<vmem>>, vector<1x16xf32>,
        %get3A_669 = vector.shape_cast %get3A_668 : vector<1x16xf32> to vector<16xf32>
        %mul3A_670 = arith.mulf %get3A_669, %get3A_175 : vector<16xf32>
        %add3A_671 = arith.addf %add3A_665, %mul3A_670 : vector<16xf32>
        %gather3A_672 = vector.shape_cast %reshape3A : vector<16x1xi32> to vector<16xi32>
        %gather3A_673 = tpu.dynamic_gather %add3A_671[%gather3A_672] in [0] : vector<16xf32>, vector<16xi32> -> vector<16xf32>
        %add3A_674 = arith.addf %add3A_671, %gather3A_673 : vector<16xf32>
        %gather3A_675 = vector.shape_cast %reshape3A_6 : vector<16x1xi32> to vector<16xi32>
        %gather3A_676 = tpu.dynamic_gather %add3A_674[%gather3A_675] in [0] : vector<16xf32>, vector<16xi32> -> vector<16xf32>
        %add3A_677 = arith.addf %add3A_674, %gather3A_676 : vector<16xf32>
        %gather3A_678 = vector.shape_cast %reshape3A_10 : vector<16x1xi32> to vector<16xi32>
        %gather3A_679 = tpu.dynamic_gather %add3A_677[%gather3A_678] in [0] : vector<16xf32>, vector<16xi32> -> vector<16xf32>
        %add3A_680 = arith.addf %add3A_677, %gather3A_679 : vector<16xf32>
        %gather3A_681 = vector.shape_cast %reshape3A_14 : vector<16x1xi32> to vector<16xi32>
        %gather3A_682 = tpu.dynamic_gather %add3A_680[%gather3A_681] in [0] : vector<16xf32>, vector<16xi32> -> vector<16xf32>
        %add3A_683 = arith.addf %add3A_680, %gather3A_682 : vector<16xf32>
        %select_n3A_684 = arith.select %eq3A_644, %add3A_683, %select_n3A_641 : vector<16xi1>, vector<16xf32>
        %eq3A_685 = arith.constant 12 : i32
        %eq3A_686 = vector.broadcast %eq3A_685 : i32 to vector<16xi32>
        %eq3A_687 = arith.cmpi eq, %iota3A, %eq3A_686 : vector<16xi32>
        %mul3A_688 = arith.constant 20 : i32
        %mul3A_689 = arith.muli %scan3A_160, %mul3A_688 : i32
        %add3A_690 = arith.constant 12 : i32
        %add3A_691 = arith.addi %mul3A_689, %add3A_690 : i32
        %get3A_692 = arith.index_cast %add3A_691 : i32 to index
        %get3A_693 = arith.constant 0 : index
        %get3A_694 = tpu.vector_load %arg10[%get3A_692, %get3A_693] {strides = array<i32>} : memref<640x64xf32, #tpu.memory_space<vmem>>, vector<1x16xf32>,
        %get3A_695 = vector.shape_cast %get3A_694 : vector<1x16xf32> to vector<16xf32>
        %mul3A_696 = arith.mulf %get3A_695, %get3A_163 : vector<16xf32>
        %get3A_697 = arith.index_cast %add3A_691 : i32 to index
        %get3A_698 = arith.constant 16 : index
        %get3A_699 = tpu.vector_load %arg10[%get3A_697, %get3A_698] {strides = array<i32>} : memref<640x64xf32, #tpu.memory_space<vmem>>, vector<1x16xf32>,
        %get3A_700 = vector.shape_cast %get3A_699 : vector<1x16xf32> to vector<16xf32>
        %mul3A_701 = arith.mulf %get3A_700, %get3A_167 : vector<16xf32>
        %add3A_702 = arith.addf %mul3A_696, %mul3A_701 : vector<16xf32>
        %get3A_703 = arith.index_cast %add3A_691 : i32 to index
        %get3A_704 = arith.constant 32 : index
        %get3A_705 = tpu.vector_load %arg10[%get3A_703, %get3A_704] {strides = array<i32>} : memref<640x64xf32, #tpu.memory_space<vmem>>, vector<1x16xf32>,
        %get3A_706 = vector.shape_cast %get3A_705 : vector<1x16xf32> to vector<16xf32>
        %mul3A_707 = arith.mulf %get3A_706, %get3A_171 : vector<16xf32>
        %add3A_708 = arith.addf %add3A_702, %mul3A_707 : vector<16xf32>
        %get3A_709 = arith.index_cast %add3A_691 : i32 to index
        %get3A_710 = arith.constant 48 : index
        %get3A_711 = tpu.vector_load %arg10[%get3A_709, %get3A_710] {strides = array<i32>} : memref<640x64xf32, #tpu.memory_space<vmem>>, vector<1x16xf32>,
        %get3A_712 = vector.shape_cast %get3A_711 : vector<1x16xf32> to vector<16xf32>
        %mul3A_713 = arith.mulf %get3A_712, %get3A_175 : vector<16xf32>
        %add3A_714 = arith.addf %add3A_708, %mul3A_713 : vector<16xf32>
        %gather3A_715 = vector.shape_cast %reshape3A : vector<16x1xi32> to vector<16xi32>
        %gather3A_716 = tpu.dynamic_gather %add3A_714[%gather3A_715] in [0] : vector<16xf32>, vector<16xi32> -> vector<16xf32>
        %add3A_717 = arith.addf %add3A_714, %gather3A_716 : vector<16xf32>
        %gather3A_718 = vector.shape_cast %reshape3A_6 : vector<16x1xi32> to vector<16xi32>
        %gather3A_719 = tpu.dynamic_gather %add3A_717[%gather3A_718] in [0] : vector<16xf32>, vector<16xi32> -> vector<16xf32>
        %add3A_720 = arith.addf %add3A_717, %gather3A_719 : vector<16xf32>
        %gather3A_721 = vector.shape_cast %reshape3A_10 : vector<16x1xi32> to vector<16xi32>
        %gather3A_722 = tpu.dynamic_gather %add3A_720[%gather3A_721] in [0] : vector<16xf32>, vector<16xi32> -> vector<16xf32>
        %add3A_723 = arith.addf %add3A_720, %gather3A_722 : vector<16xf32>
        %gather3A_724 = vector.shape_cast %reshape3A_14 : vector<16x1xi32> to vector<16xi32>
        %gather3A_725 = tpu.dynamic_gather %add3A_723[%gather3A_724] in [0] : vector<16xf32>, vector<16xi32> -> vector<16xf32>
        %add3A_726 = arith.addf %add3A_723, %gather3A_725 : vector<16xf32>
        %select_n3A_727 = arith.select %eq3A_687, %add3A_726, %select_n3A_684 : vector<16xi1>, vector<16xf32>
        %eq3A_728 = arith.constant 13 : i32
        %eq3A_729 = vector.broadcast %eq3A_728 : i32 to vector<16xi32>
        %eq3A_730 = arith.cmpi eq, %iota3A, %eq3A_729 : vector<16xi32>
        %mul3A_731 = arith.constant 20 : i32
        %mul3A_732 = arith.muli %scan3A_160, %mul3A_731 : i32
        %add3A_733 = arith.constant 13 : i32
        %add3A_734 = arith.addi %mul3A_732, %add3A_733 : i32
        %get3A_735 = arith.index_cast %add3A_734 : i32 to index
        %get3A_736 = arith.constant 0 : index
        %get3A_737 = tpu.vector_load %arg10[%get3A_735, %get3A_736] {strides = array<i32>} : memref<640x64xf32, #tpu.memory_space<vmem>>, vector<1x16xf32>,
        %get3A_738 = vector.shape_cast %get3A_737 : vector<1x16xf32> to vector<16xf32>
        %mul3A_739 = arith.mulf %get3A_738, %get3A_163 : vector<16xf32>
        %get3A_740 = arith.index_cast %add3A_734 : i32 to index
        %get3A_741 = arith.constant 16 : index
        %get3A_742 = tpu.vector_load %arg10[%get3A_740, %get3A_741] {strides = array<i32>} : memref<640x64xf32, #tpu.memory_space<vmem>>, vector<1x16xf32>,
        %get3A_743 = vector.shape_cast %get3A_742 : vector<1x16xf32> to vector<16xf32>
        %mul3A_744 = arith.mulf %get3A_743, %get3A_167 : vector<16xf32>
        %add3A_745 = arith.addf %mul3A_739, %mul3A_744 : vector<16xf32>
        %get3A_746 = arith.index_cast %add3A_734 : i32 to index
        %get3A_747 = arith.constant 32 : index
        %get3A_748 = tpu.vector_load %arg10[%get3A_746, %get3A_747] {strides = array<i32>} : memref<640x64xf32, #tpu.memory_space<vmem>>, vector<1x16xf32>,
        %get3A_749 = vector.shape_cast %get3A_748 : vector<1x16xf32> to vector<16xf32>
        %mul3A_750 = arith.mulf %get3A_749, %get3A_171 : vector<16xf32>
        %add3A_751 = arith.addf %add3A_745, %mul3A_750 : vector<16xf32>
        %get3A_752 = arith.index_cast %add3A_734 : i32 to index
        %get3A_753 = arith.constant 48 : index
        %get3A_754 = tpu.vector_load %arg10[%get3A_752, %get3A_753] {strides = array<i32>} : memref<640x64xf32, #tpu.memory_space<vmem>>, vector<1x16xf32>,
        %get3A_755 = vector.shape_cast %get3A_754 : vector<1x16xf32> to vector<16xf32>
        %mul3A_756 = arith.mulf %get3A_755, %get3A_175 : vector<16xf32>
        %add3A_757 = arith.addf %add3A_751, %mul3A_756 : vector<16xf32>
        %gather3A_758 = vector.shape_cast %reshape3A : vector<16x1xi32> to vector<16xi32>
        %gather3A_759 = tpu.dynamic_gather %add3A_757[%gather3A_758] in [0] : vector<16xf32>, vector<16xi32> -> vector<16xf32>
        %add3A_760 = arith.addf %add3A_757, %gather3A_759 : vector<16xf32>
        %gather3A_761 = vector.shape_cast %reshape3A_6 : vector<16x1xi32> to vector<16xi32>
        %gather3A_762 = tpu.dynamic_gather %add3A_760[%gather3A_761] in [0] : vector<16xf32>, vector<16xi32> -> vector<16xf32>
        %add3A_763 = arith.addf %add3A_760, %gather3A_762 : vector<16xf32>
        %gather3A_764 = vector.shape_cast %reshape3A_10 : vector<16x1xi32> to vector<16xi32>
        %gather3A_765 = tpu.dynamic_gather %add3A_763[%gather3A_764] in [0] : vector<16xf32>, vector<16xi32> -> vector<16xf32>
        %add3A_766 = arith.addf %add3A_763, %gather3A_765 : vector<16xf32>
        %gather3A_767 = vector.shape_cast %reshape3A_14 : vector<16x1xi32> to vector<16xi32>
        %gather3A_768 = tpu.dynamic_gather %add3A_766[%gather3A_767] in [0] : vector<16xf32>, vector<16xi32> -> vector<16xf32>
        %add3A_769 = arith.addf %add3A_766, %gather3A_768 : vector<16xf32>
        %select_n3A_770 = arith.select %eq3A_730, %add3A_769, %select_n3A_727 : vector<16xi1>, vector<16xf32>
        %eq3A_771 = arith.constant 14 : i32
        %eq3A_772 = vector.broadcast %eq3A_771 : i32 to vector<16xi32>
        %eq3A_773 = arith.cmpi eq, %iota3A, %eq3A_772 : vector<16xi32>
        %mul3A_774 = arith.constant 20 : i32
        %mul3A_775 = arith.muli %scan3A_160, %mul3A_774 : i32
        %add3A_776 = arith.constant 14 : i32
        %add3A_777 = arith.addi %mul3A_775, %add3A_776 : i32
        %get3A_778 = arith.index_cast %add3A_777 : i32 to index
        %get3A_779 = arith.constant 0 : index
        %get3A_780 = tpu.vector_load %arg10[%get3A_778, %get3A_779] {strides = array<i32>} : memref<640x64xf32, #tpu.memory_space<vmem>>, vector<1x16xf32>,
        %get3A_781 = vector.shape_cast %get3A_780 : vector<1x16xf32> to vector<16xf32>
        %mul3A_782 = arith.mulf %get3A_781, %get3A_163 : vector<16xf32>
        %get3A_783 = arith.index_cast %add3A_777 : i32 to index
        %get3A_784 = arith.constant 16 : index
        %get3A_785 = tpu.vector_load %arg10[%get3A_783, %get3A_784] {strides = array<i32>} : memref<640x64xf32, #tpu.memory_space<vmem>>, vector<1x16xf32>,
        %get3A_786 = vector.shape_cast %get3A_785 : vector<1x16xf32> to vector<16xf32>
        %mul3A_787 = arith.mulf %get3A_786, %get3A_167 : vector<16xf32>
        %add3A_788 = arith.addf %mul3A_782, %mul3A_787 : vector<16xf32>
        %get3A_789 = arith.index_cast %add3A_777 : i32 to index
        %get3A_790 = arith.constant 32 : index
        %get3A_791 = tpu.vector_load %arg10[%get3A_789, %get3A_790] {strides = array<i32>} : memref<640x64xf32, #tpu.memory_space<vmem>>, vector<1x16xf32>,
        %get3A_792 = vector.shape_cast %get3A_791 : vector<1x16xf32> to vector<16xf32>
        %mul3A_793 = arith.mulf %get3A_792, %get3A_171 : vector<16xf32>
        %add3A_794 = arith.addf %add3A_788, %mul3A_793 : vector<16xf32>
        %get3A_795 = arith.index_cast %add3A_777 : i32 to index
        %get3A_796 = arith.constant 48 : index
        %get3A_797 = tpu.vector_load %arg10[%get3A_795, %get3A_796] {strides = array<i32>} : memref<640x64xf32, #tpu.memory_space<vmem>>, vector<1x16xf32>,
        %get3A_798 = vector.shape_cast %get3A_797 : vector<1x16xf32> to vector<16xf32>
        %mul3A_799 = arith.mulf %get3A_798, %get3A_175 : vector<16xf32>
        %add3A_800 = arith.addf %add3A_794, %mul3A_799 : vector<16xf32>
        %gather3A_801 = vector.shape_cast %reshape3A : vector<16x1xi32> to vector<16xi32>
        %gather3A_802 = tpu.dynamic_gather %add3A_800[%gather3A_801] in [0] : vector<16xf32>, vector<16xi32> -> vector<16xf32>
        %add3A_803 = arith.addf %add3A_800, %gather3A_802 : vector<16xf32>
        %gather3A_804 = vector.shape_cast %reshape3A_6 : vector<16x1xi32> to vector<16xi32>
        %gather3A_805 = tpu.dynamic_gather %add3A_803[%gather3A_804] in [0] : vector<16xf32>, vector<16xi32> -> vector<16xf32>
        %add3A_806 = arith.addf %add3A_803, %gather3A_805 : vector<16xf32>
        %gather3A_807 = vector.shape_cast %reshape3A_10 : vector<16x1xi32> to vector<16xi32>
        %gather3A_808 = tpu.dynamic_gather %add3A_806[%gather3A_807] in [0] : vector<16xf32>, vector<16xi32> -> vector<16xf32>
        %add3A_809 = arith.addf %add3A_806, %gather3A_808 : vector<16xf32>
        %gather3A_810 = vector.shape_cast %reshape3A_14 : vector<16x1xi32> to vector<16xi32>
        %gather3A_811 = tpu.dynamic_gather %add3A_809[%gather3A_810] in [0] : vector<16xf32>, vector<16xi32> -> vector<16xf32>
        %add3A_812 = arith.addf %add3A_809, %gather3A_811 : vector<16xf32>
        %select_n3A_813 = arith.select %eq3A_773, %add3A_812, %select_n3A_770 : vector<16xi1>, vector<16xf32>
        %eq3A_814 = arith.constant 15 : i32
        %eq3A_815 = vector.broadcast %eq3A_814 : i32 to vector<16xi32>
        %eq3A_816 = arith.cmpi eq, %iota3A, %eq3A_815 : vector<16xi32>
        %mul3A_817 = arith.constant 20 : i32
        %mul3A_818 = arith.muli %scan3A_160, %mul3A_817 : i32
        %add3A_819 = arith.constant 15 : i32
        %add3A_820 = arith.addi %mul3A_818, %add3A_819 : i32
        %get3A_821 = arith.index_cast %add3A_820 : i32 to index
        %get3A_822 = arith.constant 0 : index
        %get3A_823 = tpu.vector_load %arg10[%get3A_821, %get3A_822] {strides = array<i32>} : memref<640x64xf32, #tpu.memory_space<vmem>>, vector<1x16xf32>,
        %get3A_824 = vector.shape_cast %get3A_823 : vector<1x16xf32> to vector<16xf32>
        %mul3A_825 = arith.mulf %get3A_824, %get3A_163 : vector<16xf32>
        %get3A_826 = arith.index_cast %add3A_820 : i32 to index
        %get3A_827 = arith.constant 16 : index
        %get3A_828 = tpu.vector_load %arg10[%get3A_826, %get3A_827] {strides = array<i32>} : memref<640x64xf32, #tpu.memory_space<vmem>>, vector<1x16xf32>,
        %get3A_829 = vector.shape_cast %get3A_828 : vector<1x16xf32> to vector<16xf32>
        %mul3A_830 = arith.mulf %get3A_829, %get3A_167 : vector<16xf32>
        %add3A_831 = arith.addf %mul3A_825, %mul3A_830 : vector<16xf32>
        %get3A_832 = arith.index_cast %add3A_820 : i32 to index
        %get3A_833 = arith.constant 32 : index
        %get3A_834 = tpu.vector_load %arg10[%get3A_832, %get3A_833] {strides = array<i32>} : memref<640x64xf32, #tpu.memory_space<vmem>>, vector<1x16xf32>,
        %get3A_835 = vector.shape_cast %get3A_834 : vector<1x16xf32> to vector<16xf32>
        %mul3A_836 = arith.mulf %get3A_835, %get3A_171 : vector<16xf32>
        %add3A_837 = arith.addf %add3A_831, %mul3A_836 : vector<16xf32>
        %get3A_838 = arith.index_cast %add3A_820 : i32 to index
        %get3A_839 = arith.constant 48 : index
        %get3A_840 = tpu.vector_load %arg10[%get3A_838, %get3A_839] {strides = array<i32>} : memref<640x64xf32, #tpu.memory_space<vmem>>, vector<1x16xf32>,
        %get3A_841 = vector.shape_cast %get3A_840 : vector<1x16xf32> to vector<16xf32>
        %mul3A_842 = arith.mulf %get3A_841, %get3A_175 : vector<16xf32>
        %add3A_843 = arith.addf %add3A_837, %mul3A_842 : vector<16xf32>
        %gather3A_844 = vector.shape_cast %reshape3A : vector<16x1xi32> to vector<16xi32>
        %gather3A_845 = tpu.dynamic_gather %add3A_843[%gather3A_844] in [0] : vector<16xf32>, vector<16xi32> -> vector<16xf32>
        %add3A_846 = arith.addf %add3A_843, %gather3A_845 : vector<16xf32>
        %gather3A_847 = vector.shape_cast %reshape3A_6 : vector<16x1xi32> to vector<16xi32>
        %gather3A_848 = tpu.dynamic_gather %add3A_846[%gather3A_847] in [0] : vector<16xf32>, vector<16xi32> -> vector<16xf32>
        %add3A_849 = arith.addf %add3A_846, %gather3A_848 : vector<16xf32>
        %gather3A_850 = vector.shape_cast %reshape3A_10 : vector<16x1xi32> to vector<16xi32>
        %gather3A_851 = tpu.dynamic_gather %add3A_849[%gather3A_850] in [0] : vector<16xf32>, vector<16xi32> -> vector<16xf32>
        %add3A_852 = arith.addf %add3A_849, %gather3A_851 : vector<16xf32>
        %gather3A_853 = vector.shape_cast %reshape3A_14 : vector<16x1xi32> to vector<16xi32>
        %gather3A_854 = tpu.dynamic_gather %add3A_852[%gather3A_853] in [0] : vector<16xf32>, vector<16xi32> -> vector<16xf32>
        %add3A_855 = arith.addf %add3A_852, %gather3A_854 : vector<16xf32>
        %select_n3A_856 = arith.select %eq3A_816, %add3A_855, %select_n3A_813 : vector<16xi1>, vector<16xf32>
        %mul3A_857 = arith.constant 32 : i32
        %mul3A_858 = arith.muli %scan3A_160, %mul3A_857 : i32
        %swap3A = arith.index_cast %mul3A_858 : i32 to index
        %swap3A_859 = tpu.vector_load %arg11[%swap3A] {strides = array<i32>} : memref<1024xf32, #tpu.memory_space<vmem>>, vector<16xf32>,
        %swap3A_860 = vector.shape_cast %swap3A_859 : vector<16xf32> to vector<16xf32>
        %swap3A_861 = vector.shape_cast %select_n3A_856 : vector<16xf32> to vector<16xf32>
        tpu.vector_store %arg11[%swap3A], %swap3A_861 {strides = array<i32>} : memref<1024xf32, #tpu.memory_space<vmem>>, vector<16xf32>,
        %mul3A_862 = arith.constant 20 : i32
        %mul3A_863 = arith.muli %scan3A_160, %mul3A_862 : i32
        %add3A_864 = arith.constant 16 : i32
        %add3A_865 = arith.addi %mul3A_863, %add3A_864 : i32
        %get3A_866 = arith.index_cast %add3A_865 : i32 to index
        %get3A_867 = arith.constant 0 : index
        %get3A_868 = tpu.vector_load %arg10[%get3A_866, %get3A_867] {strides = array<i32>} : memref<640x64xf32, #tpu.memory_space<vmem>>, vector<1x16xf32>,
        %get3A_869 = vector.shape_cast %get3A_868 : vector<1x16xf32> to vector<16xf32>
        %mul3A_870 = arith.mulf %get3A_869, %get3A_163 : vector<16xf32>
        %get3A_871 = arith.index_cast %add3A_865 : i32 to index
        %get3A_872 = arith.constant 16 : index
        %get3A_873 = tpu.vector_load %arg10[%get3A_871, %get3A_872] {strides = array<i32>} : memref<640x64xf32, #tpu.memory_space<vmem>>, vector<1x16xf32>,
        %get3A_874 = vector.shape_cast %get3A_873 : vector<1x16xf32> to vector<16xf32>
        %mul3A_875 = arith.mulf %get3A_874, %get3A_167 : vector<16xf32>
        %add3A_876 = arith.addf %mul3A_870, %mul3A_875 : vector<16xf32>
        %get3A_877 = arith.index_cast %add3A_865 : i32 to index
        %get3A_878 = arith.constant 32 : index
        %get3A_879 = tpu.vector_load %arg10[%get3A_877, %get3A_878] {strides = array<i32>} : memref<640x64xf32, #tpu.memory_space<vmem>>, vector<1x16xf32>,
        %get3A_880 = vector.shape_cast %get3A_879 : vector<1x16xf32> to vector<16xf32>
        %mul3A_881 = arith.mulf %get3A_880, %get3A_171 : vector<16xf32>
        %add3A_882 = arith.addf %add3A_876, %mul3A_881 : vector<16xf32>
        %get3A_883 = arith.index_cast %add3A_865 : i32 to index
        %get3A_884 = arith.constant 48 : index
        %get3A_885 = tpu.vector_load %arg10[%get3A_883, %get3A_884] {strides = array<i32>} : memref<640x64xf32, #tpu.memory_space<vmem>>, vector<1x16xf32>,
        %get3A_886 = vector.shape_cast %get3A_885 : vector<1x16xf32> to vector<16xf32>
        %mul3A_887 = arith.mulf %get3A_886, %get3A_175 : vector<16xf32>
        %add3A_888 = arith.addf %add3A_882, %mul3A_887 : vector<16xf32>
        %gather3A_889 = vector.shape_cast %reshape3A : vector<16x1xi32> to vector<16xi32>
        %gather3A_890 = tpu.dynamic_gather %add3A_888[%gather3A_889] in [0] : vector<16xf32>, vector<16xi32> -> vector<16xf32>
        %add3A_891 = arith.addf %add3A_888, %gather3A_890 : vector<16xf32>
        %gather3A_892 = vector.shape_cast %reshape3A_6 : vector<16x1xi32> to vector<16xi32>
        %gather3A_893 = tpu.dynamic_gather %add3A_891[%gather3A_892] in [0] : vector<16xf32>, vector<16xi32> -> vector<16xf32>
        %add3A_894 = arith.addf %add3A_891, %gather3A_893 : vector<16xf32>
        %gather3A_895 = vector.shape_cast %reshape3A_10 : vector<16x1xi32> to vector<16xi32>
        %gather3A_896 = tpu.dynamic_gather %add3A_894[%gather3A_895] in [0] : vector<16xf32>, vector<16xi32> -> vector<16xf32>
        %add3A_897 = arith.addf %add3A_894, %gather3A_896 : vector<16xf32>
        %gather3A_898 = vector.shape_cast %reshape3A_14 : vector<16x1xi32> to vector<16xi32>
        %gather3A_899 = tpu.dynamic_gather %add3A_897[%gather3A_898] in [0] : vector<16xf32>, vector<16xi32> -> vector<16xf32>
        %add3A_900 = arith.addf %add3A_897, %gather3A_899 : vector<16xf32>
        %eq3A_901 = arith.constant 1 : i32
        %eq3A_902 = vector.broadcast %eq3A_901 : i32 to vector<16xi32>
        %eq3A_903 = arith.cmpi eq, %iota3A, %eq3A_902 : vector<16xi32>
        %mul3A_904 = arith.constant 20 : i32
        %mul3A_905 = arith.muli %scan3A_160, %mul3A_904 : i32
        %add3A_906 = arith.constant 17 : i32
        %add3A_907 = arith.addi %mul3A_905, %add3A_906 : i32
        %get3A_908 = arith.index_cast %add3A_907 : i32 to index
        %get3A_909 = arith.constant 0 : index
        %get3A_910 = tpu.vector_load %arg10[%get3A_908, %get3A_909] {strides = array<i32>} : memref<640x64xf32, #tpu.memory_space<vmem>>, vector<1x16xf32>,
        %get3A_911 = vector.shape_cast %get3A_910 : vector<1x16xf32> to vector<16xf32>
        %mul3A_912 = arith.mulf %get3A_911, %get3A_163 : vector<16xf32>
        %get3A_913 = arith.index_cast %add3A_907 : i32 to index
        %get3A_914 = arith.constant 16 : index
        %get3A_915 = tpu.vector_load %arg10[%get3A_913, %get3A_914] {strides = array<i32>} : memref<640x64xf32, #tpu.memory_space<vmem>>, vector<1x16xf32>,
        %get3A_916 = vector.shape_cast %get3A_915 : vector<1x16xf32> to vector<16xf32>
        %mul3A_917 = arith.mulf %get3A_916, %get3A_167 : vector<16xf32>
        %add3A_918 = arith.addf %mul3A_912, %mul3A_917 : vector<16xf32>
        %get3A_919 = arith.index_cast %add3A_907 : i32 to index
        %get3A_920 = arith.constant 32 : index
        %get3A_921 = tpu.vector_load %arg10[%get3A_919, %get3A_920] {strides = array<i32>} : memref<640x64xf32, #tpu.memory_space<vmem>>, vector<1x16xf32>,
        %get3A_922 = vector.shape_cast %get3A_921 : vector<1x16xf32> to vector<16xf32>
        %mul3A_923 = arith.mulf %get3A_922, %get3A_171 : vector<16xf32>
        %add3A_924 = arith.addf %add3A_918, %mul3A_923 : vector<16xf32>
        %get3A_925 = arith.index_cast %add3A_907 : i32 to index
        %get3A_926 = arith.constant 48 : index
        %get3A_927 = tpu.vector_load %arg10[%get3A_925, %get3A_926] {strides = array<i32>} : memref<640x64xf32, #tpu.memory_space<vmem>>, vector<1x16xf32>,
        %get3A_928 = vector.shape_cast %get3A_927 : vector<1x16xf32> to vector<16xf32>
        %mul3A_929 = arith.mulf %get3A_928, %get3A_175 : vector<16xf32>
        %add3A_930 = arith.addf %add3A_924, %mul3A_929 : vector<16xf32>
        %gather3A_931 = vector.shape_cast %reshape3A : vector<16x1xi32> to vector<16xi32>
        %gather3A_932 = tpu.dynamic_gather %add3A_930[%gather3A_931] in [0] : vector<16xf32>, vector<16xi32> -> vector<16xf32>
        %add3A_933 = arith.addf %add3A_930, %gather3A_932 : vector<16xf32>
        %gather3A_934 = vector.shape_cast %reshape3A_6 : vector<16x1xi32> to vector<16xi32>
        %gather3A_935 = tpu.dynamic_gather %add3A_933[%gather3A_934] in [0] : vector<16xf32>, vector<16xi32> -> vector<16xf32>
        %add3A_936 = arith.addf %add3A_933, %gather3A_935 : vector<16xf32>
        %gather3A_937 = vector.shape_cast %reshape3A_10 : vector<16x1xi32> to vector<16xi32>
        %gather3A_938 = tpu.dynamic_gather %add3A_936[%gather3A_937] in [0] : vector<16xf32>, vector<16xi32> -> vector<16xf32>
        %add3A_939 = arith.addf %add3A_936, %gather3A_938 : vector<16xf32>
        %gather3A_940 = vector.shape_cast %reshape3A_14 : vector<16x1xi32> to vector<16xi32>
        %gather3A_941 = tpu.dynamic_gather %add3A_939[%gather3A_940] in [0] : vector<16xf32>, vector<16xi32> -> vector<16xf32>
        %add3A_942 = arith.addf %add3A_939, %gather3A_941 : vector<16xf32>
        %select_n3A_943 = arith.select %eq3A_903, %add3A_942, %add3A_900 : vector<16xi1>, vector<16xf32>
        %eq3A_944 = arith.constant 2 : i32
        %eq3A_945 = vector.broadcast %eq3A_944 : i32 to vector<16xi32>
        %eq3A_946 = arith.cmpi eq, %iota3A, %eq3A_945 : vector<16xi32>
        %mul3A_947 = arith.constant 20 : i32
        %mul3A_948 = arith.muli %scan3A_160, %mul3A_947 : i32
        %add3A_949 = arith.constant 18 : i32
        %add3A_950 = arith.addi %mul3A_948, %add3A_949 : i32
        %get3A_951 = arith.index_cast %add3A_950 : i32 to index
        %get3A_952 = arith.constant 0 : index
        %get3A_953 = tpu.vector_load %arg10[%get3A_951, %get3A_952] {strides = array<i32>} : memref<640x64xf32, #tpu.memory_space<vmem>>, vector<1x16xf32>,
        %get3A_954 = vector.shape_cast %get3A_953 : vector<1x16xf32> to vector<16xf32>
        %mul3A_955 = arith.mulf %get3A_954, %get3A_163 : vector<16xf32>
        %get3A_956 = arith.index_cast %add3A_950 : i32 to index
        %get3A_957 = arith.constant 16 : index
        %get3A_958 = tpu.vector_load %arg10[%get3A_956, %get3A_957] {strides = array<i32>} : memref<640x64xf32, #tpu.memory_space<vmem>>, vector<1x16xf32>,
        %get3A_959 = vector.shape_cast %get3A_958 : vector<1x16xf32> to vector<16xf32>
        %mul3A_960 = arith.mulf %get3A_959, %get3A_167 : vector<16xf32>
        %add3A_961 = arith.addf %mul3A_955, %mul3A_960 : vector<16xf32>
        %get3A_962 = arith.index_cast %add3A_950 : i32 to index
        %get3A_963 = arith.constant 32 : index
        %get3A_964 = tpu.vector_load %arg10[%get3A_962, %get3A_963] {strides = array<i32>} : memref<640x64xf32, #tpu.memory_space<vmem>>, vector<1x16xf32>,
        %get3A_965 = vector.shape_cast %get3A_964 : vector<1x16xf32> to vector<16xf32>
        %mul3A_966 = arith.mulf %get3A_965, %get3A_171 : vector<16xf32>
        %add3A_967 = arith.addf %add3A_961, %mul3A_966 : vector<16xf32>
        %get3A_968 = arith.index_cast %add3A_950 : i32 to index
        %get3A_969 = arith.constant 48 : index
        %get3A_970 = tpu.vector_load %arg10[%get3A_968, %get3A_969] {strides = array<i32>} : memref<640x64xf32, #tpu.memory_space<vmem>>, vector<1x16xf32>,
        %get3A_971 = vector.shape_cast %get3A_970 : vector<1x16xf32> to vector<16xf32>
        %mul3A_972 = arith.mulf %get3A_971, %get3A_175 : vector<16xf32>
        %add3A_973 = arith.addf %add3A_967, %mul3A_972 : vector<16xf32>
        %gather3A_974 = vector.shape_cast %reshape3A : vector<16x1xi32> to vector<16xi32>
        %gather3A_975 = tpu.dynamic_gather %add3A_973[%gather3A_974] in [0] : vector<16xf32>, vector<16xi32> -> vector<16xf32>
        %add3A_976 = arith.addf %add3A_973, %gather3A_975 : vector<16xf32>
        %gather3A_977 = vector.shape_cast %reshape3A_6 : vector<16x1xi32> to vector<16xi32>
        %gather3A_978 = tpu.dynamic_gather %add3A_976[%gather3A_977] in [0] : vector<16xf32>, vector<16xi32> -> vector<16xf32>
        %add3A_979 = arith.addf %add3A_976, %gather3A_978 : vector<16xf32>
        %gather3A_980 = vector.shape_cast %reshape3A_10 : vector<16x1xi32> to vector<16xi32>
        %gather3A_981 = tpu.dynamic_gather %add3A_979[%gather3A_980] in [0] : vector<16xf32>, vector<16xi32> -> vector<16xf32>
        %add3A_982 = arith.addf %add3A_979, %gather3A_981 : vector<16xf32>
        %gather3A_983 = vector.shape_cast %reshape3A_14 : vector<16x1xi32> to vector<16xi32>
        %gather3A_984 = tpu.dynamic_gather %add3A_982[%gather3A_983] in [0] : vector<16xf32>, vector<16xi32> -> vector<16xf32>
        %add3A_985 = arith.addf %add3A_982, %gather3A_984 : vector<16xf32>
        %select_n3A_986 = arith.select %eq3A_946, %add3A_985, %select_n3A_943 : vector<16xi1>, vector<16xf32>
        %eq3A_987 = arith.constant 3 : i32
        %eq3A_988 = vector.broadcast %eq3A_987 : i32 to vector<16xi32>
        %eq3A_989 = arith.cmpi eq, %iota3A, %eq3A_988 : vector<16xi32>
        %mul3A_990 = arith.constant 20 : i32
        %mul3A_991 = arith.muli %scan3A_160, %mul3A_990 : i32
        %add3A_992 = arith.constant 19 : i32
        %add3A_993 = arith.addi %mul3A_991, %add3A_992 : i32
        %get3A_994 = arith.index_cast %add3A_993 : i32 to index
        %get3A_995 = arith.constant 0 : index
        %get3A_996 = tpu.vector_load %arg10[%get3A_994, %get3A_995] {strides = array<i32>} : memref<640x64xf32, #tpu.memory_space<vmem>>, vector<1x16xf32>,
        %get3A_997 = vector.shape_cast %get3A_996 : vector<1x16xf32> to vector<16xf32>
        %mul3A_998 = arith.mulf %get3A_997, %get3A_163 : vector<16xf32>
        %get3A_999 = arith.index_cast %add3A_993 : i32 to index
        %get3A_1000 = arith.constant 16 : index
        %get3A_1001 = tpu.vector_load %arg10[%get3A_999, %get3A_1000] {strides = array<i32>} : memref<640x64xf32, #tpu.memory_space<vmem>>, vector<1x16xf32>,
        %get3A_1002 = vector.shape_cast %get3A_1001 : vector<1x16xf32> to vector<16xf32>
        %mul3A_1003 = arith.mulf %get3A_1002, %get3A_167 : vector<16xf32>
        %add3A_1004 = arith.addf %mul3A_998, %mul3A_1003 : vector<16xf32>
        %get3A_1005 = arith.index_cast %add3A_993 : i32 to index
        %get3A_1006 = arith.constant 32 : index
        %get3A_1007 = tpu.vector_load %arg10[%get3A_1005, %get3A_1006] {strides = array<i32>} : memref<640x64xf32, #tpu.memory_space<vmem>>, vector<1x16xf32>,
        %get3A_1008 = vector.shape_cast %get3A_1007 : vector<1x16xf32> to vector<16xf32>
        %mul3A_1009 = arith.mulf %get3A_1008, %get3A_171 : vector<16xf32>
        %add3A_1010 = arith.addf %add3A_1004, %mul3A_1009 : vector<16xf32>
        %get3A_1011 = arith.index_cast %add3A_993 : i32 to index
        %get3A_1012 = arith.constant 48 : index
        %get3A_1013 = tpu.vector_load %arg10[%get3A_1011, %get3A_1012] {strides = array<i32>} : memref<640x64xf32, #tpu.memory_space<vmem>>, vector<1x16xf32>,
        %get3A_1014 = vector.shape_cast %get3A_1013 : vector<1x16xf32> to vector<16xf32>
        %mul3A_1015 = arith.mulf %get3A_1014, %get3A_175 : vector<16xf32>
        %add3A_1016 = arith.addf %add3A_1010, %mul3A_1015 : vector<16xf32>
        %gather3A_1017 = vector.shape_cast %reshape3A : vector<16x1xi32> to vector<16xi32>
        %gather3A_1018 = tpu.dynamic_gather %add3A_1016[%gather3A_1017] in [0] : vector<16xf32>, vector<16xi32> -> vector<16xf32>
        %add3A_1019 = arith.addf %add3A_1016, %gather3A_1018 : vector<16xf32>
        %gather3A_1020 = vector.shape_cast %reshape3A_6 : vector<16x1xi32> to vector<16xi32>
        %gather3A_1021 = tpu.dynamic_gather %add3A_1019[%gather3A_1020] in [0] : vector<16xf32>, vector<16xi32> -> vector<16xf32>
        %add3A_1022 = arith.addf %add3A_1019, %gather3A_1021 : vector<16xf32>
        %gather3A_1023 = vector.shape_cast %reshape3A_10 : vector<16x1xi32> to vector<16xi32>
        %gather3A_1024 = tpu.dynamic_gather %add3A_1022[%gather3A_1023] in [0] : vector<16xf32>, vector<16xi32> -> vector<16xf32>
        %add3A_1025 = arith.addf %add3A_1022, %gather3A_1024 : vector<16xf32>
        %gather3A_1026 = vector.shape_cast %reshape3A_14 : vector<16x1xi32> to vector<16xi32>
        %gather3A_1027 = tpu.dynamic_gather %add3A_1025[%gather3A_1026] in [0] : vector<16xf32>, vector<16xi32> -> vector<16xf32>
        %add3A_1028 = arith.addf %add3A_1025, %gather3A_1027 : vector<16xf32>
        %select_n3A_1029 = arith.select %eq3A_989, %add3A_1028, %select_n3A_986 : vector<16xi1>, vector<16xf32>
        %mul3A_1030 = arith.constant 32 : i32
        %mul3A_1031 = arith.muli %scan3A_160, %mul3A_1030 : i32
        %add3A_1032 = arith.constant 16 : i32
        %add3A_1033 = arith.addi %mul3A_1031, %add3A_1032 : i32
        %swap3A_1034 = arith.index_cast %add3A_1033 : i32 to index
        %swap3A_1035 = tpu.vector_load %arg11[%swap3A_1034] {strides = array<i32>} : memref<1024xf32, #tpu.memory_space<vmem>>, vector<16xf32>,
        %swap3A_1036 = vector.shape_cast %swap3A_1035 : vector<16xf32> to vector<16xf32>
        %swap3A_1037 = vector.shape_cast %select_n3A_1029 : vector<16xf32> to vector<16xf32>
        tpu.vector_store %arg11[%swap3A_1034], %swap3A_1037 {strides = array<i32>} : memref<1024xf32, #tpu.memory_space<vmem>>, vector<16xf32>,
      }
      %scan3A_157 = arith.constant 32 : i32
      %mul3A_158 = arith.constant 32 : i32
      %mul3A_159 = arith.muli %add3A_24, %mul3A_158 : i32
      "tpu.region"() ({
        %run_scoped3A_160 = tpu.sem_alloc : memref<!tpu.dma_semaphore, #tpu.memory_space<semaphore_mem>>
        %dma_start3A_161 = tpu.memref_slice %arg6[%mul3A_159] : memref<524288xf32, #tpu.memory_space<hbm>> -> memref<1024xf32, #tpu.memory_space<hbm>>
        %dma_start3A_162 = tpu.memref_slice %arg6[%mul3A_159] : memref<524288xf32, #tpu.memory_space<hbm>> -> memref<1024xf32, #tpu.memory_space<hbm>>
        tpu.enqueue_dma source(%arg11 : memref<1024xf32, #tpu.memory_space<vmem>>) target(%dma_start3A_162 : memref<1024xf32, #tpu.memory_space<hbm>>) target_semaphore(%run_scoped3A_160 : memref<!tpu.dma_semaphore, #tpu.memory_space<semaphore_mem>>)
        %dma_wait3A_163 = tpu.memref_slice %arg6[%mul3A_159] : memref<524288xf32, #tpu.memory_space<hbm>> -> memref<1024xf32, #tpu.memory_space<hbm>>
        %dma_wait3A_164 = tpu.memref_slice %arg6[%mul3A_159] : memref<524288xf32, #tpu.memory_space<hbm>> -> memref<1024xf32, #tpu.memory_space<hbm>>
        tpu.wait_dma2 semaphore(%run_scoped3A_160 : memref<!tpu.dma_semaphore, #tpu.memory_space<semaphore_mem>>) src(%arg11 : memref<1024xf32, #tpu.memory_space<vmem>>) dst(%dma_wait3A_164 : memref<1024xf32, #tpu.memory_space<hbm>>)
        tpu.yield
      }) : () -> ()
    }
    %scan3A_18 = arith.constant 16 : i32
    return
  }
}

</mosaic_0001>

<sc_bundles>
// kernel: kernel.3.cloned.1.call-start
scs
__scs_entry_jumppad:
0x0: {  	(pc) =	sbr.rel $0x88, $3  }
0x1: {  	(tag) =	ssettag $0x0;
	lr =	simm.s32 $0x1  }
0x2: {  	[smem:$0x3F9D] =	sst lr;
	_ =	strace $0xD0000000  }
0x3: {  	_ = 	snop  }
0x4: {  	_ = 	snop  }
0x5: {  	_ = 	snop  }
0x6: {  	_ = 	snop  }
0x7: {  	_ = 	snop  }
__scs_overlays_trampoline_lowered:
0x8: {  	[smem:$0x3FAC] =	sst s0  }
0x9: {  	[smem:$0x3FAD] =	sst s1  }
0xa: {  	[smem:$0x3FAE] =	sst s2  }
0xb: {  	[smem:$0x3FAF] =	sst s3  }
0xc: {  	[smem:$0x3FB0] =	sst s4  }
0xd: {  	[smem:$0x3FB1] =	sst s5  }
0xe: {  	[smem:$0x3FB2] =	sst s6  }
0xf: {  	[smem:$0x3FB3] =	sst s7  }
0x10: {  	[smem:$0x3FB4] =	sst s8  }
0x11: {  	[smem:$0x3FB5] =	sst s9;
	s0 =	simm.s32 @!p0 $0x0  }
0x12: {  	s1 =	sld [smem:$0x3F9B];
	s0 =	simm.s32 @p0 $0x1  }
0x13: {  	[smem:$0x3FB6] =	sst s0;
	s0 =	simm.s32 @!p1 $0x0  }
0x14: {  	s2 =	sld [smem:$0x3F9A];
	s0 =	simm.s32 @p1 $0x1  }
0x15: {  	[smem:$0x3FB7] =	sst s0;
	s0 =	simm.s32 @!p2 $0x0  }
0x16: {  	s3 =	sld [smem:$0x3FDB];
	s0 =	simm.s32 @p2 $0x1  }
0x17: {  	s4 =	simm.s32 $0x1BF5;
	[smem:$0x3FB9] =	sst s0  }
0x18: {  	s0 =	sld [smem:$0x3F9C];
	_ =	swait.ge [sflag:s4], $0x0  }
0x19: {  	s7 =	sld [smem:$0x3F9D]  }
0x1a: {  	s8 =	sadd.s32 $0xFFFFE003, lr  }
0x1b: {  	s9 =	sadd.s32 $0xFFFFFEF7, lr;
	s5 =	simm.s32 $0xFFFFFFFF;
	p2 =	slt.u32 s8, $0xFFFFF086  }
0x1c: {  	p1 =	slt.u32 s9, $0xF7A;
	s5 =	simm.s32 @!p2 $0x0  }
0x1d: {  	s5 =	simm.s32 @p1 $0x1;
	p0 =	seq.s32 s7, s2  }
0x1e: {  	s7 =	smul.u32 @!p0 $0xF7A, s2;
	p2 =	seq.s32 @!p0 s5, $0x0  }
0x1f: {  	s9 =	smul.u32 $0xF7A, s1;
	s8 =	simm.s32 @!p0 $0x1BF5;
	p2 =	por !p2, p0  }
0x20: {  	[sflag:s8] =	ssyncset.s32 @!p0 $0xFFFFF086;
	s6 =	sadd.s32 @!p0 s3, s7;
	s7 =	simm.s32 @!p0 $0x108  }
0x21: {  	s3 =	sadd.s32 s3, s9;
	s6 =	sadd.s32 @!p0 $0x88, s6;
	s7 =	simm.s32 @p2 $0x1082  }
0x22: {  	[simem:s7], [sflag:s8] =	dma.local @!p0 [hbm:s6], $0xF7A  }
0x23: {  	s9 =	sor.u32 $0xD0000000, s2;
	s6 =	simm.s32 $0x108;
	_ =	swait.ge @!p0 [sflag:s8], $0x0  }
0x24: {  	s3 =	sadd.s32 $0x88, s3;
	s6 =	simm.s32 @!p1 $0x1082;
	[sflag:s4] =	ssyncset.s32 $0xFFFFF086  }
0x25: {  	[simem:s6], [sflag:s4] =	dma.local [hbm:s3], $0xF7A  }
0x26: {  	[smem:$0x3F9D] =	sst s1;
	(tag) =	ssettag s2;
	_ =	strace s9  }
0x27: {  	s1 =	sld [smem:$0x3FAD]  }
0x28: {  	s2 =	sld [smem:$0x3FAE]  }
0x29: {  	s4 =	sld [smem:$0x3FB0]  }
0x2a: {  	p0 =	seq.s32 s5, $0x0;
	s5 =	sld [smem:$0x3FB1]  }
0x2b: {  	s6 =	sld [smem:$0x3FB2]  }
0x2c: {  	s7 =	sld [smem:$0x3FB3]  }
0x2d: {  	s3 =	simm.s32 $0x108;
	s8 =	sld [smem:$0x3FB4]  }
0x2e: {  	s3 =	simm.s32 @!p0 $0x1082;
	s9 =	sld [smem:$0x3FB5]  }
0x2f: {  	lr =	sadd.s32 s0, s3;
	s0 =	sld [smem:$0x3FAC]  }
0x30: {  	s3 =	sld [smem:$0x3FAF]  }
0x31: {  	[smem:$0x3FB8] =	sst s10  }
0x32: {  	s10 =	sld [smem:$0x3FB6];
	_ =	sdelay $0x3  }
0x33: {  	p0 =	seq.s32 s10, $0x1;
	s10 =	sld [smem:$0x3FB8];
	_ =	sdelay $0x3  }
0x34: {  	[smem:$0x3FB8] =	sst s10  }
0x35: {  	s10 =	sld [smem:$0x3FB7];
	_ =	sdelay $0x3  }
0x36: {  	p1 =	seq.s32 s10, $0x1;
	s10 =	sld [smem:$0x3FB8];
	_ =	sdelay $0x3  }
0x37: {  	[smem:$0x3FB8] =	sst s10  }
0x38: {  	s10 =	sld [smem:$0x3FB9]  }
0x39: {  	_ = 	snop;
	(pc) =	sbr.ind lr, $3  }
0x3a: {  	_ = 	snop  }
0x3b: {  	_ = 	snop  }
0x3c: {  	p2 =	seq.s32 s10, $0x1;
	s10 =	sld [smem:$0x3FB8]  }
0x3d: {  	_ =	shalt  }
0x3e: {  	_ =	shalt  }
0x3f: {  	_ =	shalt  }
0x40: {  	_ =	shalt  }
0x41: {  	_ =	shalt  }
0x42: {  	_ =	shalt  }
0x43: {  	_ =	shalt  }
0x44: {  	_ =	shalt  }
0x45: {  	_ =	shalt  }
0x46: {  	_ =	shalt  }
0x47: {  	_ =	shalt  }
0x48: {  	_ =	shalt  }
0x49: {  	_ =	shalt  }
0x4a: {  	_ =	shalt  }
0x4b: {  	_ =	shalt  }
0x4c: {  	_ =	shalt  }
0x4d: {  	_ =	shalt  }
0x4e: {  	_ =	shalt  }
0x4f: {  	_ =	shalt  }
0x50: {  	_ =	shalt  }
0x51: {  	_ =	shalt  }
0x52: {  	_ =	shalt  }
0x53: {  	_ =	shalt  }
0x54: {  	_ =	shalt  }
0x55: {  	_ =	shalt  }
0x56: {  	_ =	shalt  }
0x57: {  	_ =	shalt  }
0x58: {  	_ =	shalt  }
0x59: {  	_ =	shalt  }
0x5a: {  	_ =	shalt  }
0x5b: {  	_ =	shalt  }
0x5c: {  	_ =	shalt  }
0x5d: {  	_ =	shalt  }
0x5e: {  	_ =	shalt  }
0x5f: {  	_ =	shalt  }
0x60: {  	_ =	shalt  }
0x61: {  	_ =	shalt  }
0x62: {  	_ =	shalt  }
0x63: {  	_ =	shalt  }
0x64: {  	_ =	shalt  }
0x65: {  	_ =	shalt  }
0x66: {  	_ =	shalt  }
0x67: {  	_ =	shalt  }
0x68: {  	_ =	shalt  }
0x69: {  	_ =	shalt  }
0x6a: {  	_ =	shalt  }
0x6b: {  	_ =	shalt  }
0x6c: {  	_ =	shalt  }
0x6d: {  	_ =	shalt  }
0x6e: {  	_ =	shalt  }
0x6f: {  	_ =	shalt  }
0x70: {  	_ =	shalt  }
0x71: {  	_ =	shalt  }
0x72: {  	_ =	shalt  }
0x73: {  	_ =	shalt  }
0x74: {  	_ =	shalt  }
0x75: {  	_ =	shalt  }
0x76: {  	_ =	shalt  }
0x77: {  	_ =	shalt  }
0x78: {  	_ =	shalt  }
0x79: {  	_ =	shalt  }
0x7a: {  	_ =	shalt  }
0x7b: {  	_ =	shalt  }
0x7c: {  	_ =	shalt  }
0x7d: {  	_ =	shalt  }
0x7e: {  	_ =	shalt  }
0x7f: {  	_ =	shalt  }
0x80: {  	_ =	shalt  }
0x81: {  	_ =	shalt  }
0x82: {  	_ =	shalt  }
0x83: {  	_ =	shalt  }
0x84: {  	_ =	shalt  }
0x85: {  	_ =	shalt  }
0x86: {  	_ =	shalt  }
0x87: {  	_ =	shalt  }
.Lfunc_end0:
.L_simem_size_0:
called_computation_lowered:
.L_overlay_start_0:
0x88: {  	s2 =	sld [smem:$0x3FD9]  }
0x89: {  	s3 =	sld [smem:$0x3FFE];
	_ =	sdelay $0x1  }
0x8a: {  	s1 =	srdreg.scid  }
0x8b: {  	s0 =	sand.u32 $0x1, s1  }
0x8c: {  	s17 =	sshll.u32 s0, $0xA;
	s2 =	sadd.s32 s3, s2  }
0x8d: {  	s2 =	sadd.s32 s2, s17  }
0x8e: {  	[smem:$0x3FC4] =	sst s2  }
0x8f: {  	_ = 	snop  }
0x90: {  	s2 =	sld [smem:$0x3FC9]  }
0x91: {  	s18 =	sld [smem:$0x3FD0];
	(tm) =	ssettm $0x1  }
0x92: {  	s4 =	sld [smem:$0x3FFB];
	_ =	sdelay $0x3  }
0x93: {  	_ =	strace s4  }
0x94: {  	s4 =	sld [smem:$0x3FFC];
	_ =	sdelay $0x3  }
0x95: {  	_ =	strace s4  }
0x96: {  	s4 =	sld [smem:$0x3FFD];
	_ =	sdelay $0x3  }
0x97: {  	_ =	strace s4  }
0x98: {  	_ =	strace $0x8FFFFFFF  }
0x99: {  	s19 =	sld [smem:$0x3FDB];
	_ =	sdelay $0x1  }
0x9a: {  	s5 =	simm.s32 $_scs_section_size  }
0x9b: {  	s6 =	simm.s32 $_size__tile_overlayer_lowered;
	s7 =	simm.s32 $_tile_overlayer_lowered  }
0x9c: {  	s22 =	simm.s32 $0x1BFF;
	s21 =	sshll.u32 s7, $0x1;
	s4 =	sadd.s32 s5, s19  }
0x9d: {  	s8 =	simm.s32 $0x0;
	s20 =	sshll.u32 s6, $0x1;
	s6 =	sadd.s32 s21, s4  }
0x9e: {  	[timem:s8], [sflag:s22] =	dma.local [hbm:s6], s20  }
0x9f: {  	_ =	swait.ge [sflag:s22], s20  }
0xa0: {  	s5 =	ssub.s32 $0x0, s20;
	[sflag:s22] =	ssyncset.done $0x0  }
0xa1: {  	[sflag:s22] =	ssyncadd.s32 s5;
	_ =	sdelay $0x1  }
0xa2: {  	s23 =	simm.s32 $0x1B8B  }
0xa3: {  	_ =	swait.ge [sflag:s23], $0x1  }
0xa4: {  	[sflag:s23] =	ssyncset.done $0x0  }
0xa5: {  	s25 =	simm.s32 $0x1B8E;
	s24 =	sld [smem:$0x3FFE];
	[sflag:s23] =	ssyncadd.s32 $0xFFFFFFFF  }
0xa6: {  	s26 =	simm.s32 $execute0_lowered;
	[smem:$0x3FD2] =	sst s25  }
0xa7: {  	s6 =	sshll.u32 s26, $0x1;
	_ =	strace $0x80000046;
	[dreg:$0x1] =	wrdreg $0xFFFFFFFF  }
0xa8: {  	s28 =	simm.s32 $_size_execute0_lowered;
	s4 =	sadd.s32 s4, s6;
	[dreg:$0x0] =	wrdreg $0x0  }
0xa9: {  	s6 =	sshll.u32 s28, $0x1;
	[dreg:$0x2] =	wrdreg s4  }
0xaa: {  	[dreg:$0x3] =	wrdreg s6  }
0xab: {  	[dreg:$0x4] =	wrdreg $0xC0  }
0xac: {  	_ =	task [dreg:s8], $0x5FFFF  }
0xad: {  	[dreg:$0x1] =	wrdreg $0xFFFFFFFF  }
0xae: {  	[dreg:$0x0] =	wrdreg $0x60  }
0xaf: {  	[dreg:$0x2] =	wrdreg s2  }
0xb0: {  	[dreg:$0x3] =	wrdreg s18  }
0xb1: {  	[dreg:$0x4] =	wrdreg s24  }
0xb2: {  	[dreg:$0x5] =	wrdreg $0x9  }
0xb3: {  	_ =	task.clear_ibuf [dreg:s8], $0x6FFFF;
	_ =	strace $0x90000046  }
0xb4: {  	s29 =	simm.s32 $0x9;
	_ =	strace $0x80000048  }
0xb5: {  	_ =	swait.ge [sflag:s29], $0x1  }
0xb6: {  	[sflag:s29] =	ssyncadd.s32 $0xFFFFFFFF  }
0xb7: {  	_ =	strace $0x90000048  }
0xb8: {  	_ =	sfence  }
0xb9: {  	s30 =	sld [smem:$0x0];
	_ =	sdelay $0x2  }
0xba: {  	s31 =	sshll.u32 s1, $0xD;
	s1 =	sshrl.u32 s1, $0x2  }
0xbb: {  	s3 =	sand.u32 $0x4000, s31;
	s1 =	sadd.s32 s1, s30  }
0xbc: {  	s0 =	sor.u32 s3, s0;
	s1 =	sshll.u32 s1, $0x11  }
0xbd: {  	s0 =	sor.u32 s1, s0  }
0xbe: {  	s0 =	sadd.s32 $0x8F2B, s0  }
0xbf: {  	[sflag:s0] =	ssyncadd.remote.s32 $0x1  }
0xc0: {  	_ =	sfence.sel $0xFFFF  }
0xc1: {  	[dreg:$0x0] =	wrdreg $0xFFFFFFFF;
	(pc) =	sbr.abs _section_cstart, $3  }
0xc2: {  	[dreg:$0x1] =	wrdreg $0xFFFFFFFF  }
0xc3: {  	_ =	task.clear_ibuf [dreg:s8], $0x2FFFF;
	_ =	strace $0x9FFFFFFF  }
0xc4: {  	(tm) =	ssettm $0x7FFFFFFF  }
0xc5: {  	_ =	shalt  }
tec
execute0_lowered:
.L_overlay_start_1:
0x0: {  	(tag) =	ssettag $0x1  }
0x1: {  	v0 =	vimm.s32 $0xEFCDAB89;
	v1 =	vimm.s32 $0x67452301  }
0x2: {  	v2 =	vimm.s32 $0xDCFE98BA;
	v3 =	vimm.s32 $0x54761032;
	v4 =	vimm.s32 $0xBA98FEDC  }
0x3: {  	s0 =	rddreg [dreg:$0x0];
	v5 =	vimm.s32 $0x32107654;
	v6 =	vimm.s32 $0xFEDCBA98;
	v7 =	vimm.s32 $0x76543210  }
0x4: {  	s1 =	rddreg [dreg:$0x1];
	vm0 =	vmmov $0x1;
	vm1 =	vmmov $0x3;
	vm2 =	vmmov $0x7  }
0x5: {  	s2 =	rddreg [dreg:$0x2];
	vm3 =	vmmov $0xf;
	vm4 =	vmmov $0x1f;
	vm5 =	vmmov $0x3f  }
0x6: {  	s3 =	simm.s32 $0x0;
	s5 =	srdreg.scid;
	s7 =	stileid.u32;
	vm6 =	vmmov $0x7f;
	vm7 =	vmmov $0xff;
	vm8 =	vmmov $0x1ff  }
0x7: {  	s11 =	simm.s32 $0x20;
	s12 =	simm.s32 $0xA0;
	s13 =	simm.s32 $0x120;
	vm9 =	vmmov $0x3ff;
	vm10 =	vmmov $0x7ff;
	vm11 =	vmmov $0xfff  }
0x8: {  	s14 =	simm.s32 $0x1A0;
	s15 =	simm.s32 $0x220;
	s16 =	simm.s32 $0x2A0;
	vm12 =	vmmov $0x1fff;
	v0 =	vunpack.c.l.s4.s8 v0;
	v1 =	vunpack.c.l.s4.s8 v1  }
0x9: {  	s17 =	simm.s32 $0x80;
	s18 =	simm.s32 $0xAA0;
	s19 =	simm.s32 $0x2AA0;
	v2 =	vunpack.c.l.s4.s8 v2;
	v3 =	vunpack.c.l.s4.s8 v3;
	v4 =	vunpack.c.l.s4.s8 v4  }
0xa: {  	s20 =	simm.s32 $0x4AA0;
	s21 =	simm.s32 $0x6AA0;
	s22 =	simm.s32 $0x8AA0;
	v5 =	vunpack.c.l.s4.s8 v5;
	v6 =	vunpack.c.l.s4.s8 v6;
	v7 =	vunpack.c.l.s4.s8 v7  }
0xb: {  	s23 =	simm.s32 $0x2;
	s24 =	simm.s32 $0x1;
	s25 =	simm.s32 $0xAAA0;
	v0 =	vunpack.c.0.s8.s32 v0;
	v1 =	vunpack.c.0.s8.s32 v1;
	v2 =	vunpack.c.0.s8.s32 v2  }
0xc: {  	s26 =	simm.s32 $0x0;
	[smem:$0x7FF] =	sst s3;
	s5 =	sand.u32 $0x1, s5;
	v3 =	vunpack.c.0.s8.s32 v3;
	v4 =	vunpack.c.0.s8.s32 v4;
	v5 =	vunpack.c.0.s8.s32 v5  }
0xd: {  	vm13 =	vmmov $0x3fff;
	s4 =	sadd.s32 $0x16E3C00, s2;
	s6 =	sadd.s32 $0xF42A00, s2;
	s8 =	ssub.s32 $0x2, s5;
	v0 =	vcombine.low v1, v0;
	v1 =	vunpack.c.0.s8.s32 v6  }
0xe: {  	s10 =	sshll.u32 s7, $0xA;
	s7 =	sadd.s32 $0x600, s2;
	s9 =	sshrl.u32 s8, $0x1;
	v2 =	vcombine.low v3, v2;
	v3 =	vcombine.low v5, v4;
	v4 =	vunpack.c.0.s8.s32 v7  }
0xf: {  	vm14 =	vmmov $0x7fff;
	_ =	strace $0x80000047;
	s5 =	sshll.u32 s5, $0x9;
	s31 =	ssub.s32 s8, s9;
	v0 =	vand.u32 $0xF, v0;
	v5 =	vand.u32 $0xF, v1  }
0x10: {  	s8 =	sor.u32 s5, s10;
	s10 =	simm.s32 $0x3;
	s9 =	smax.u32 s31, $0x1;
	v1 =	vand.u32 $0xF, v2;
	v2 =	vand.u32 $0xF, v3;
	v3 =	vcombine.low v5, v4  }
.LBB2_1:
0x11: {  	s28 =	simm.s32 $0x0  }
.LBB2_2:
0x12: {  	s2 =	sshll.u32 s28, $0x5  }
0x13: {  	s29 =	sadd.s32 s8, s2  }
0x14: {  	s2 =	sshrl.u32 s29, $0x3  }
0x15: {  	s30 =	simm.s32 $0x0;
	s5 =	smul.u32 $0x14, s29;
	s2 =	sadd.s32 s0, s2  }
0x16: {  	[tilespmem:s30], [sflag:$0x3] =	stream.linear.gather [hbm4b:s2+s30], $0x20, $0x38;
	[tilespmem:$0xAEA0] =	vst v63  }
0x17: {  	_ =	swait.ge [sflag:s10], $0x20  }
0x18: {  	s2 =	sshrl.u32 s5, $0x3;
	[sflag:s10] =	ssyncset.done $0x0  }
0x19: {  	s2 =	sadd.s32 s1, s2;
	[sflag:s10] =	ssyncadd.s32 $0xFFFFFFE0  }
0x1a: {  	[tilespmem:s11], [sflag:$0x3] =	stream.linear.gather [hbm4b:s2+s30], $0x80, $0x38;
	[tilespmem:$0xAEA0] =	vst v63  }
0x1b: {  	_ =	swait.ge [sflag:s10], $0x80  }
0x1c: {  	[sflag:s10] =	ssyncset.done $0x0  }
0x1d: {  	s5 =	sadd.s32 $0x10, s2;
	[sflag:s10] =	ssyncadd.s32 $0xFFFFFF80  }
0x1e: {  	[tilespmem:s12], [sflag:$0x3] =	stream.linear.gather [hbm4b:s5+s30], $0x80, $0x38;
	[tilespmem:$0xAEA0] =	vst v63  }
0x1f: {  	_ =	swait.ge [sflag:s10], $0x80  }
0x20: {  	[sflag:s10] =	ssyncset.done $0x0  }
0x21: {  	s5 =	sadd.s32 $0x20, s2;
	[sflag:s10] =	ssyncadd.s32 $0xFFFFFF80  }
0x22: {  	[tilespmem:s13], [sflag:$0x3] =	stream.linear.gather [hbm4b:s5+s30], $0x80, $0x38;
	[tilespmem:$0xAEA0] =	vst v63  }
0x23: {  	_ =	swait.ge [sflag:s10], $0x80  }
0x24: {  	[sflag:s10] =	ssyncset.done $0x0  }
0x25: {  	s5 =	sadd.s32 $0x30, s2;
	[sflag:s10] =	ssyncadd.s32 $0xFFFFFF80  }
0x26: {  	[tilespmem:s14], [sflag:$0x3] =	stream.linear.gather [hbm4b:s5+s30], $0x80, $0x38;
	[tilespmem:$0xAEA0] =	vst v63  }
0x27: {  	_ =	swait.ge [sflag:s10], $0x80  }
0x28: {  	[sflag:s10] =	ssyncset.done $0x0  }
0x29: {  	s2 =	sadd.s32 $0x40, s2;
	[sflag:s10] =	ssyncadd.s32 $0xFFFFFF80  }
0x2a: {  	[tilespmem:s15], [sflag:$0x3] =	stream.linear.gather [hbm4b:s2+s30], $0x80, $0x38;
	[tilespmem:$0xAEA0] =	vst v63  }
0x2b: {  	_ =	swait.ge [sflag:s10], $0x80  }
0x2c: {  	[sflag:s10] =	ssyncset.done $0x0  }
0x2d: {  	[sflag:s10] =	ssyncadd.s32 $0xFFFFFF80  }
0x2e: {  	[tilespmem:s16], [sflag:$0x2] =	stream.indirect.gather [hbm4b:s6+s11], $0x40, s30, s11, $0xb8;
	[tilespmem:$0xAEA0] =	vst v63  }
0x2f: {  	_ = 	snop  }
0x30: {  	[tilespmem:s18], [sflag:$0x1] =	stream.indirect.gather [hbm4b:s4+s17], $0x40, s11, s17, $0xb8;
	[tilespmem:$0xAEA0] =	vst v63  }
0x31: {  	_ = 	snop  }
0x32: {  	[tilespmem:s19], [sflag:$0x1] =	stream.indirect.gather [hbm4b:s4+s17], $0x40, s12, s17, $0xb8;
	[tilespmem:$0xAEA0] =	vst v63  }
0x33: {  	_ = 	snop  }
0x34: {  	[tilespmem:s20], [sflag:$0x1] =	stream.indirect.gather [hbm4b:s4+s17], $0x40, s13, s17, $0xb8;
	[tilespmem:$0xAEA0] =	vst v63  }
0x35: {  	_ = 	snop  }
0x36: {  	[tilespmem:s21], [sflag:$0x1] =	stream.indirect.gather [hbm4b:s4+s17], $0x40, s14, s17, $0xb8;
	[tilespmem:$0xAEA0] =	vst v63  }
0x37: {  	_ = 	snop  }
0x38: {  	[tilespmem:s22], [sflag:$0x1] =	stream.indirect.gather [hbm4b:s4+s17], $0x40, s15, s17, $0xb8;
	[tilespmem:$0xAEA0] =	vst v63  }
0x39: {  	_ =	swait.ge [sflag:s23], $0x800  }
0x3a: {  	[sflag:s23] =	ssyncset.done $0x0  }
0x3b: {  	[sflag:s23] =	ssyncadd.s32 $0xFFFFF800  }
0x3c: {  	_ =	swait.ge [sflag:s24], $0x2000  }
0x3d: {  	[sflag:s24] =	ssyncset.done $0x0  }
0x3e: {  	[sflag:s24] =	ssyncadd.s32 $0xFFFFE000  }
0x3f: {  	_ =	swait.ge [sflag:s24], $0x2000  }
0x40: {  	[sflag:s24] =	ssyncset.done $0x0  }
0x41: {  	[sflag:s24] =	ssyncadd.s32 $0xFFFFE000  }
0x42: {  	_ =	swait.ge [sflag:s24], $0x2000  }
0x43: {  	[sflag:s24] =	ssyncset.done $0x0  }
0x44: {  	[sflag:s24] =	ssyncadd.s32 $0xFFFFE000  }
0x45: {  	_ =	swait.ge [sflag:s24], $0x2000  }
0x46: {  	[sflag:s24] =	ssyncset.done $0x0  }
0x47: {  	[sflag:s24] =	ssyncadd.s32 $0xFFFFE000  }
0x48: {  	_ =	swait.ge [sflag:s24], $0x2000  }
0x49: {  	[sflag:s24] =	ssyncset.done $0x0  }
0x4a: {  	s31 =	simm.s32 $0xD20;
	s2 =	simm.s32 $0x2C0;
	[sflag:s24] =	ssyncadd.s32 $0xFFFFE000  }
.LBB2_3:
0x4b: {  	v6 =	vld [tilespmem:s2+$0xFFFFFFE0]  }
0x4c: {  	v7 =	vld [tilespmem:s2+$0xFFFFFFF0]  }
0x4d: {  	v5 =	vld [tilespmem:s2+$0x0]  }
0x4e: {  	v4 =	vld [tilespmem:s2+$0x10]  }
0x4f: {  	v8 =	vld [tilespmem:s31+$0xFFFFFD80]  }
0x50: {  	v9 =	vld [tilespmem:s31+$0xFFFFFD90]  }
0x51: {  	v10 =	vld [tilespmem:s31+$0xFFFFFDA0]  }
0x52: {  	v11 =	vld [tilespmem:s31+$0xFFFFFDB0]  }
0x53: {  	v12 =	vld [tilespmem:s31+$0xFFFFFDC0]  }
0x54: {  	v13 =	vld [tilespmem:s31+$0xFFFFFDD0]  }
0x55: {  	v14 =	vld [tilespmem:s31+$0xFFFFFDE0]  }
0x56: {  	v15 =	vld [tilespmem:s31+$0xFFFFFDF0]  }
0x57: {  	v16 =	vld [tilespmem:s31+$0xFFFFFE00]  }
0x58: {  	v17 =	vld [tilespmem:s31+$0xFFFFFE10]  }
0x59: {  	v18 =	vld [tilespmem:s31+$0xFFFFFE20]  }
0x5a: {  	v19 =	vld [tilespmem:s31+$0xFFFFFE30]  }
0x5b: {  	v20 =	vld [tilespmem:s31+$0xFFFFFE40]  }
0x5c: {  	v27 =	vld [tilespmem:s31+$0xFFFFFE50]  }
0x5d: {  	v29 =	vld [tilespmem:s31+$0xFFFFFE60]  }
0x5e: {  	v34 =	vld [tilespmem:s31+$0xFFFFFE70]  }
0x5f: {  	v41 =	vld [tilespmem:s31+$0xFFFFFE80];
	v8 =	vmul.f32 v8, v6;
	v9 =	vmul.f32 v9, v7  }
0x60: {  	v45 =	vld [tilespmem:s31+$0xFFFFFEA0];
	v10 =	vmul.f32 v10, v5;
	v25 =	vmul.f32 v12, v6  }
0x61: {  	v50 =	vld [tilespmem:s31+$0xFFFFFED0];
	v26 =	vmul.f32 v13, v7;
	v16 =	vmul.f32 v16, v6  }
0x62: {  	v22 =	vld [tilespmem:s31+$0xFFFFFEE0];
	v17 =	vmul.f32 v17, v7;
	v28 =	vmul.f32 v14, v5  }
0x63: {  	v52 =	vld [tilespmem:s31+$0xFFFFFEF0];
	v11 =	vmul.f32 v11, v4;
	v31 =	vmul.f32 v18, v5  }
0x64: {  	v53 =	vld [tilespmem:s31+$0xFFFFFF00];
	v32 =	vmul.f32 v15, v4;
	v33 =	vmul.f32 v19, v4  }
0x65: {  	v59 =	vld [tilespmem:s31+$0xFFFFFF50];
	v35 =	vmul.f32 v20, v6;
	v13 =	vmul.f32 v27, v7  }
0x66: {  	v61 =	vld [tilespmem:s31+$0xFFFFFF60];
	v12 =	vmul.f32 v29, v5;
	v40 =	vmul.f32 v34, v4  }
0x67: {  	v23 =	vld [tilespmem:s31+$0xFFFFFF10];
	v19 =	vmul.f32 v50, v7;
	v58 =	vmul.f32 v45, v5;
	v8 =	vadd.f32 v9, v8  }
0x68: {  	v42 =	vld [tilespmem:s31+$0xFFFFFE90];
	v60 =	vmul.f32 v22, v5;
	v9 =	vadd.f32 v26, v25;
	v30 =	vadd.f32 v17, v16  }
0x69: {  	v29 =	vmul.f32 v52, v4;
	v34 =	vmul.f32 v53, v6;
	v27 =	vld [tilespmem:s31+$0x80];
	v8 =	vadd.f32 v10, v8  }
0x6a: {  	v18 =	vmul.f32 v59, v7;
	v26 =	vld [tilespmem:s31+$0xFFFFFF20];
	v9 =	vadd.f32 v28, v9;
	v14 =	vadd.f32 v31, v30  }
0x6b: {  	v45 =	vmul.f32 v61, v5;
	v37 =	vadd.f32 v13, v35;
	v30 =	vld [tilespmem:s31+$0xFFFFFF80];
	v8 =	vadd.f32 v11, v8  }
0x6c: {  	v57 =	vld [tilespmem:s31+$0xFFFFFF40];
	v35 =	vmul.f32 v23, v7;
	v9 =	vadd.f32 v32, v9;
	v36 =	vadd.f32 v33, v14  }
0x6d: {  	v11 =	vadd.f32 v12, v37;
	v12 =	vmul.f32 v41, v6;
	v41 =	vld [tilespmem:s31+$0xFFFFFFA0];
	v38 =	vperm.xlane v8, v0  }
0x6e: {  	v39 =	vperm.xlane v9, v0;
	v15 =	vperm.xlane v36, v0  }
0x6f: {  	v56 =	vld [tilespmem:s31+$0xFFFFFF30];
	v11 =	vadd.f32 v40, v11;
	v40 =	vmul.f32 v26, v5;
	v26 =	vmul.f32 v27, v6  }
0x70: {  	v63 =	vld [tilespmem:s31+$0xFFFFFF70];
	v16 =	vmul.f32 v30, v6;
	v8 =	vadd.f32 v8, v38;
	v9 =	vadd.f32 v9, v39  }
0x71: {  	v46 =	vld [tilespmem:s31+$0xFFFFFEB0];
	v10 =	vadd.f32 v36, v15;
	v44 =	vperm.xlane v11, v0;
	v15 =	vmul.f32 v42, v7  }
0x72: {  	v47 =	vld [tilespmem:s31+$0xFFFFFEC0];
	v42 =	vmul.f32 v57, v6;
	v50 =	vmul.f32 v41, v5  }
0x73: {  	v13 =	vperm.xlane v8, v1;
	v14 =	vperm.xlane v9, v1  }
0x74: {  	v43 =	vperm.xlane v10, v1;
	v11 =	vadd.f32 v11, v44;
	v12 =	vadd.f32 v15, v12  }
0x75: {  	v33 =	vld [tilespmem:s31+$0xFFFFFF90];
	v44 =	vmul.f32 v56, v4;
	v15 =	vmul.f32 v63, v4;
	v8 =	vadd.f32 v8, v13  }
0x76: {  	v36 =	vld [tilespmem:s31+$0xFFFFFFC0];
	v9 =	vadd.f32 v9, v14;
	v10 =	vadd.f32 v10, v43;
	v21 =	vperm.xlane v11, v1  }
0x77: {  	v38 =	vld [tilespmem:s31+$0xFFFFFFD0];
	v14 =	vmul.f32 v47, v6;
	v12 =	vadd.f32 v58, v12;
	v13 =	vmul.f32 v46, v4  }
0x78: {  	v43 =	vld [tilespmem:s31+$0xFFFFFFE0];
	v48 =	vperm.xlane v8, v2;
	v49 =	vperm.xlane v9, v2;
	v11 =	vadd.f32 v11, v21  }
0x79: {  	v46 =	vld [tilespmem:s31+$0xFFFFFFB0];
	v51 =	vperm.xlane v10, v2;
	v14 =	vadd.f32 v19, v14;
	v32 =	vadd.f32 v13, v12  }
0x7a: {  	v13 =	vadd.f32 v35, v34;
	v12 =	vmul.f32 v33, v7;
	v8 =	vadd.f32 v8, v48  }
0x7b: {  	v9 =	vadd.f32 v9, v49;
	v10 =	vadd.f32 v10, v51;
	v25 =	vperm.xlane v11, v2  }
0x7c: {  	v33 =	vld [tilespmem:s31+$0x30];
	v28 =	vadd.f32 v60, v14;
	v37 =	vperm.xlane v32, v0;
	v48 =	vmul.f32 v36, v6  }
0x7d: {  	v13 =	vadd.f32 v40, v13;
	v49 =	vmul.f32 v38, v7;
	v51 =	vmul.f32 v43, v5  }
0x7e: {  	v47 =	vld [tilespmem:s31+$0xFFFFFFF0];
	v12 =	vadd.f32 v12, v16;
	v53 =	vmul.f32 v46, v4;
	v54 =	vperm.xlane v8, v3  }
0x7f: {  	v55 =	vperm.xlane v9, v3;
	v11 =	vadd.f32 v11, v25;
	v13 =	vadd.f32 v44, v13  }
0x80: {  	v61 =	vld [tilespmem:s31+$0x0];
	v24 =	vperm.xlane v10, v3;
	v14 =	vadd.f32 v49, v48;
	v12 =	vadd.f32 v50, v12  }
0x81: {  	v36 =	vld [tilespmem:s31+$0x40];
	v21 =	vmul.f32 v33, v4;
	v8 =	vadd.f32 v8, v54;
	v9 =	vadd.f32 v9, v55  }
0x82: {  	v40 =	vld [tilespmem:s31+$0x60];
	v10 =	vadd.f32 v10, v24;
	v62 =	vperm.xlane v11, v3;
	v52 =	vperm.xlane v13, v0  }
0x83: {  	v14 =	vadd.f32 v51, v14;
	v54 =	vmul.f32 v47, v4;
	v12 =	vadd.f32 v53, v12  }
0x84: {  	v30 =	vld [tilespmem:s31+$0x20];
	v8 =	vsel vm0, v8, v9;
	v31 =	vadd.f32 v11, v62;
	v9 =	vadd.f32 v29, v28  }
0x85: {  	v53 =	vld [tilespmem:s31+$0xC0];
	v11 =	vadd.f32 v18, v42;
	v13 =	vadd.f32 v13, v52;
	v58 =	vperm.xlane v12, v0  }
0x86: {  	v63 =	vld [tilespmem:s31+$0x10];
	v14 =	vadd.f32 v54, v14;
	v54 =	vmul.f32 v61, v6;
	v61 =	vmul.f32 v36, v6  }
0x87: {  	v43 =	vld [tilespmem:s31+$0x70];
	v28 =	vmul.f32 v40, v5;
	v8 =	vsel vm1, v8, v10;
	v10 =	vadd.f32 v32, v37  }
0x88: {  	v39 =	vperm.xlane v9, v0;
	v11 =	vadd.f32 v45, v11;
	v59 =	vperm.xlane v13, v1  }
0x89: {  	v60 =	vperm.xlane v14, v0;
	v12 =	vadd.f32 v12, v58;
	v55 =	vperm.xlane v10, v1  }
0x8a: {  	v33 =	vmul.f32 v53, v6;
	v11 =	vadd.f32 v15, v11;
	v9 =	vadd.f32 v9, v39  }
0x8b: {  	v38 =	vld [tilespmem:s31+$0x50];
	v13 =	vadd.f32 v13, v59;
	v32 =	vperm.xlane v12, v1;
	v15 =	vmul.f32 v63, v7  }
0x8c: {  	v51 =	vld [tilespmem:s31+$0xB0];
	v14 =	vadd.f32 v14, v60;
	v59 =	vmul.f32 v30, v5;
	v30 =	vmul.f32 v43, v4  }
0x8d: {  	v63 =	vld [tilespmem:s31+$0x100];
	v10 =	vadd.f32 v10, v55;
	v56 =	vperm.xlane v11, v0;
	v57 =	vperm.xlane v9, v1  }
0x8e: {  	v34 =	vperm.xlane v13, v2;
	v35 =	vperm.xlane v14, v1;
	v12 =	vadd.f32 v12, v32  }
0x8f: {  	v47 =	vld [tilespmem:s31+$0x90];
	v62 =	vperm.xlane v10, v2;
	v11 =	vadd.f32 v11, v56;
	v9 =	vadd.f32 v9, v57  }
0x90: {  	v55 =	vld [tilespmem:s31+$0xD0];
	v13 =	vadd.f32 v13, v34;
	v14 =	vadd.f32 v14, v35;
	v42 =	vperm.xlane v12, v2  }
0x91: {  	v32 =	vld [tilespmem:s31+$0x150];
	v35 =	vmul.f32 v51, v4;
	v10 =	vadd.f32 v10, v62;
	v62 =	vmul.f32 v38, v7  }
0x92: {  	v8 =	vsel vm2, v8, v31;
	v38 =	vmul.f32 v63, v6;
	v29 =	vperm.xlane v11, v1  }
0x93: {  	v49 =	vld [tilespmem:s31+$0xA0];
	v58 =	vadd.f32 v15, v54;
	v31 =	vperm.xlane v9, v2;
	v44 =	vperm.xlane v13, v3  }
0x94: {  	v36 =	vld [tilespmem:s31+$0x160];
	v45 =	vperm.xlane v14, v2;
	v46 =	vadd.f32 v12, v42;
	v12 =	vmul.f32 v47, v7  }
0x95: {  	v34 =	vld [tilespmem:s31+$0x120];
	v19 =	vmul.f32 v55, v7;
	v37 =	vperm.xlane v10, v3;
	v11 =	vadd.f32 v11, v29  }
0x96: {  	v27 =	vld [tilespmem:s31+$0x110];
	v42 =	vmul.f32 v32, v7;
	v9 =	vadd.f32 v9, v31;
	v13 =	vadd.f32 v13, v44  }
0x97: {  	v60 =	vld [tilespmem:s31+$0xF0];
	v14 =	vadd.f32 v14, v45;
	v50 =	vperm.xlane v46, v3;
	v39 =	vperm.xlane v11, v2  }
0x98: {  	v31 =	vmul.f32 v49, v5;
	v15 =	vadd.f32 v19, v33;
	v10 =	vadd.f32 v10, v37  }
0x99: {  	v45 =	vmul.f32 v36, v5;
	v41 =	vperm.xlane v9, v3;
	v11 =	vadd.f32 v11, v39  }
0x9a: {  	v57 =	vld [tilespmem:s31+$0xE0];
	v44 =	vmul.f32 v34, v5;
	v52 =	vperm.xlane v14, v3;
	v8 =	vsel vm3, v8, v10  }
0x9b: {  	v10 =	vadd.f32 v12, v26;
	v9 =	vadd.f32 v9, v41;
	v48 =	vperm.xlane v11, v3  }
0x9c: {  	v29 =	vld [tilespmem:s31+$0x140];
	v56 =	vadd.f32 v14, v52;
	v39 =	vmul.f32 v27, v7;
	v14 =	vmul.f32 v60, v4  }
0x9d: {  	v37 =	vld [tilespmem:s31+$0x130];
	v10 =	vadd.f32 v31, v10;
	v8 =	vsel vm4, v8, v9;
	v11 =	vadd.f32 v11, v48  }
0x9e: {  	v40 =	vld [tilespmem:s31+$0x170];
	v9 =	vadd.f32 v46, v50;
	v12 =	vadd.f32 v39, v38;
	v8 =	vsel vm5, v8, v13  }
0x9f: {  	v13 =	vmul.f32 v57, v5;
	v8 =	vsel vm6, v8, v11;
	v11 =	vadd.f32 v62, v61  }
0xa0: {  	v10 =	vadd.f32 v35, v10;
	v8 =	vsel vm7, v8, v9;
	v9 =	vadd.f32 v59, v58  }
0xa1: {  	v41 =	vmul.f32 v29, v6;
	v12 =	vadd.f32 v44, v12;
	v11 =	vadd.f32 v28, v11  }
0xa2: {  	v19 =	vmul.f32 v37, v4;
	v13 =	vadd.f32 v13, v15;
	v9 =	vadd.f32 v21, v9  }
0xa3: {  	v48 =	vmul.f32 v40, v4;
	v15 =	vadd.f32 v42, v41;
	v11 =	vadd.f32 v30, v11  }
0xa4: {  	v49 =	vperm.xlane v10, v0;
	v12 =	vadd.f32 v19, v12;
	v43 =	vperm.xlane v9, v0  }
0xa5: {  	v13 =	vadd.f32 v14, v13;
	v47 =	vadd.f32 v45, v15;
	v46 =	vperm.xlane v11, v0  }
0xa6: {  	v10 =	vadd.f32 v10, v49;
	v9 =	vadd.f32 v9, v43  }
0xa7: {  	v50 =	vperm.xlane v13, v0;
	v14 =	vadd.f32 v48, v47;
	v11 =	vadd.f32 v11, v46  }
0xa8: {  	v8 =	vsel vm8, v8, v56;
	v52 =	vperm.xlane v12, v0;
	v51 =	vperm.xlane v9, v1  }
0xa9: {  	v13 =	vadd.f32 v13, v50;
	v54 =	vperm.xlane v14, v0;
	v53 =	vperm.xlane v11, v1  }
0xaa: {  	v55 =	vperm.xlane v10, v1;
	v12 =	vadd.f32 v12, v52;
	v9 =	vadd.f32 v9, v51  }
0xab: {  	v56 =	vperm.xlane v13, v1;
	v14 =	vadd.f32 v14, v54;
	v11 =	vadd.f32 v11, v53  }
0xac: {  	v10 =	vadd.f32 v10, v55;
	v58 =	vperm.xlane v12, v1;
	v57 =	vperm.xlane v9, v2  }
0xad: {  	v13 =	vadd.f32 v13, v56;
	v59 =	vperm.xlane v14, v1;
	v18 =	vperm.xlane v11, v2  }
0xae: {  	v60 =	vperm.xlane v10, v2;
	v12 =	vadd.f32 v12, v58;
	v9 =	vadd.f32 v9, v57  }
0xaf: {  	v61 =	vperm.xlane v13, v2;
	v14 =	vadd.f32 v14, v59;
	v11 =	vadd.f32 v11, v18  }
0xb0: {  	v10 =	vadd.f32 v10, v60;
	v63 =	vperm.xlane v12, v2;
	v62 =	vperm.xlane v9, v3  }
0xb1: {  	v13 =	vadd.f32 v13, v61;
	v20 =	vperm.xlane v14, v2;
	v18 =	vperm.xlane v11, v3  }
0xb2: {  	v21 =	vperm.xlane v10, v3;
	v12 =	vadd.f32 v12, v63;
	v9 =	vadd.f32 v9, v62  }
0xb3: {  	v22 =	vperm.xlane v13, v3;
	v14 =	vadd.f32 v14, v20;
	v11 =	vadd.f32 v11, v18  }
0xb4: {  	v23 =	vadd.f32 v10, v21;
	v24 =	vperm.xlane v12, v3;
	v8 =	vsel vm9, v8, v9  }
0xb5: {  	v25 =	vadd.f32 v13, v22;
	v26 =	vperm.xlane v14, v3;
	v8 =	vsel vm10, v8, v11  }
0xb6: {  	v27 =	vadd.f32 v12, v24;
	v8 =	vsel vm11, v8, v23  }
0xb7: {  	v28 =	vadd.f32 v14, v26;
	v8 =	vsel vm12, v8, v25  }
0xb8: {  	v8 =	vsel vm13, v8, v27  }
0xb9: {  	s5 =	sshra.s32 s30, $0x2;
	v8 =	vsel vm14, v8, v28  }
0xba: {  	[tilespmem:s5+$0xAAA0] =	vst v8  }
0xbb: {  	v8 =	vld [tilespmem:s31+$0x180]  }
0xbc: {  	v29 =	vld [tilespmem:s31+$0x190]  }
0xbd: {  	v30 =	vld [tilespmem:s31+$0x1A0]  }
0xbe: {  	v31 =	vld [tilespmem:s31+$0x1B0]  }
0xbf: {  	v32 =	vld [tilespmem:s31+$0x1C0]  }
0xc0: {  	v33 =	vld [tilespmem:s31+$0x1D0]  }
0xc1: {  	v34 =	vld [tilespmem:s31+$0x1E0]  }
0xc2: {  	v36 =	vld [tilespmem:s31+$0x200]  }
0xc3: {  	v37 =	vld [tilespmem:s31+$0x210]  }
0xc4: {  	v38 =	vld [tilespmem:s31+$0x240]  }
0xc5: {  	v39 =	vld [tilespmem:s31+$0x250];
	v8 =	vmul.f32 v8, v6  }
0xc6: {  	v40 =	vld [tilespmem:s31+$0x220];
	v9 =	vmul.f32 v29, v7;
	v12 =	vmul.f32 v32, v6  }
0xc7: {  	v42 =	vld [tilespmem:s31+$0x260];
	v13 =	vmul.f32 v33, v7;
	v41 =	vmul.f32 v30, v5  }
0xc8: {  	v35 =	vld [tilespmem:s31+$0x1F0];
	v43 =	vmul.f32 v34, v5;
	v45 =	vmul.f32 v36, v6  }
0xc9: {  	v44 =	vld [tilespmem:s31+$0x230];
	v46 =	vmul.f32 v37, v7;
	v6 =	vmul.f32 v38, v6  }
0xca: {  	v47 =	vld [tilespmem:s31+$0x270];
	v7 =	vmul.f32 v39, v7;
	v11 =	vmul.f32 v31, v4  }
0xcb: {  	v48 =	vmul.f32 v40, v5;
	v8 =	vadd.f32 v9, v8;
	v12 =	vadd.f32 v13, v12  }
0xcc: {  	v5 =	vmul.f32 v42, v5;
	v9 =	vadd.f32 v46, v45;
	v6 =	vadd.f32 v7, v6  }
0xcd: {  	v49 =	vmul.f32 v35, v4;
	v8 =	vadd.f32 v41, v8;
	v12 =	vadd.f32 v43, v12  }
0xce: {  	v50 =	vmul.f32 v44, v4;
	v9 =	vadd.f32 v48, v9;
	v5 =	vadd.f32 v5, v6  }
0xcf: {  	v4 =	vmul.f32 v47, v4;
	v8 =	vadd.f32 v11, v8;
	v7 =	vadd.f32 v49, v12  }
0xd0: {  	v51 =	vadd.f32 v50, v9  }
0xd1: {  	v4 =	vadd.f32 v4, v5;
	v52 =	vperm.xlane v8, v0;
	v53 =	vperm.xlane v7, v0  }
0xd2: {  	v5 =	vperm.xlane v51, v0  }
0xd3: {  	v54 =	vperm.xlane v4, v0;
	v8 =	vadd.f32 v8, v52;
	v7 =	vadd.f32 v7, v53  }
0xd4: {  	v5 =	vadd.f32 v51, v5  }
0xd5: {  	v4 =	vadd.f32 v4, v54;
	v55 =	vperm.xlane v8, v1;
	v10 =	vperm.xlane v7, v1  }
0xd6: {  	v56 =	vperm.xlane v5, v1  }
0xd7: {  	v57 =	vperm.xlane v4, v1;
	v6 =	vadd.f32 v8, v55;
	v7 =	vadd.f32 v7, v10  }
0xd8: {  	v5 =	vadd.f32 v5, v56  }
0xd9: {  	v4 =	vadd.f32 v4, v57;
	v58 =	vperm.xlane v6, v2;
	v10 =	vperm.xlane v7, v2  }
0xda: {  	v59 =	vperm.xlane v5, v2  }
0xdb: {  	v60 =	vperm.xlane v4, v2;
	v6 =	vadd.f32 v6, v58;
	v7 =	vadd.f32 v7, v10  }
0xdc: {  	v5 =	vadd.f32 v5, v59  }
0xdd: {  	v4 =	vadd.f32 v4, v60;
	v61 =	vperm.xlane v6, v3;
	v10 =	vperm.xlane v7, v3  }
0xde: {  	v62 =	vperm.xlane v5, v3  }
0xdf: {  	p0 =	sne.s32 s30, $0xF80;
	v63 =	vperm.xlane v4, v3;
	v6 =	vadd.f32 v6, v61;
	v7 =	vadd.f32 v7, v10  }
.Ltmp0:
0xe0: {  	vm15 =	vcmask $0x310;
	v5 =	vadd.f32 v5, v62;
	(pc) =	sbr.rel @p0 .LBB2_3-.Ltmp0, $4  }
0xe1: {  	v4 =	vadd.f32 v4, v63;
	v6 =	vsel vm15, v6, v7;
	vm15 =	vcmask $0x710  }
0xe2: {  	v5 =	vsel vm15, v6, v5;
	vm15 =	vcmask $0xB10  }
0xe3: {  	v4 =	vsel vm15, v5, v4  }
0xe4: {  	s2 =	sadd.s32 $0x40, s2;
	s30 =	sadd.s32 $0x80, s30;
	s31 =	sadd.s32 $0x500, s31;
	[tilespmem:s5+$0xAAB0] =	vst v4  }
0xe5: {  	s28 =	sadd.s32 $0x1, s28  }
0xe6: {  	s2 =	sshll.u32 s29, $0x2;
	p0 =	sne.s32 s28, $0x10  }
.Ltmp1:
0xe7: {  	s2 =	sadd.s32 s7, s2;
	(pc) =	sbr.rel @p0 .LBB2_2-.Ltmp1, $4  }
0xe8: {  	[hbm4b:s2+s3] =	stream.linear.scatter [tilespmem:s25], [sflag:$0x3], $0x400, $0x38;
	[tilespmem:$0xAEA0] =	vst v63  }
0xe9: {  	_ =	swait.ge [sflag:s10], $0x400  }
0xea: {  	[sflag:s10] =	ssyncset.done $0x0  }
0xeb: {  	[sflag:s10] =	ssyncadd.s32 $0xFFFFFC00  }
0xec: {  	s26 =	sadd.s32 $0x1, s26  }
0xed: {  	p0 =	sne.s32 s26, s9  }
.Ltmp2:
0xee: {  	_ = 	snop;
	(pc) =	sbr.rel @p0 .LBB2_1-.Ltmp2, $1  }
0xef: {  	_ =	sdelay $0x3  }
0xf0: {  	_ =	sfence.sel $0x180000  }
0xf1: {  	[bflag:$0x0] =	sbarrier.arrive $0xFFFF  }
0xf2: {  	_ =	strace $0x90000047  }
0xf3: {  	s0 =	stileid.u32;
	[bflag:$0x2] =	sbarrier.arrive $0xFFFF  }
0xf4: {  	p0 =	sne.s32 s0, $0x0;
	s0 =	rddreg [dreg:$0x3]  }
0xf5: {  	s0 =	sadd.s32 @!p0 $0x100000, s0  }
0xf6: {  	[sflag:s0] =	ssyncadd.tile.s32 @!p0 $0x1;
	_ =	shalt  }
.Lfunc_end2:
_tile_overlayer_lowered:
.L_overlay_start_2:
0xf7: {  	(tag) =	ssettag $0x2  }
0xf8: {  	s0 =	rddreg [dreg:$0x0];
	s2 =	stileid.u32  }
0xf9: {  	s1 =	rddreg [dreg:$0x1];
	p0 =	sne.s32 s2, $0x0  }
0xfa: {  	s3 =	rddreg [dreg:$0x2];
	[bflag:$0x3] =	sbarrier.arrive $0xFFFF;
	s2 =	simm.s32 @!p0 $0x1C03  }
0xfb: {  	[timem:s3], [sflag:s2] =	dma.local @!p0 [hbm:s0], s1  }
0xfc: {  	s0 =	simm.s32 @!p0 $0x3  }
0xfd: {  	_ =	swait.ge @!p0 [sflag:s0], s1  }
0xfe: {  	s1 =	ssub.s32 @!p0 $0x0, s1;
	[sflag:s0] =	ssyncset.done @!p0 $0x0  }
0xff: {  	[sflag:s0] =	ssyncadd.s32 @!p0 s1  }
0x100: {  	[bflag:$0x3] =	sbarrier.arrive $0xFFFF  }
0x101: {  	_ =	shalt  }

</sc_bundles>
